<compile_context>
chip_gen: v7x
topology: tpu7x:2x2x1
jax: 0.10.2.dev20260603
libtpu: 0.0.44.dev20260713+nightly
codegen_flags: <defaults>
</compile_context>

<pallas_src>
import functools

import jax
import jax.numpy as jnp
from jax import lax
from jax.experimental import pallas as pl
from jax.experimental.pallas import tpu as pltpu
from jax.experimental.pallas import tpu_sc as plsc

B, NFIELD, NFEAT, SQL_NEMB, DATA_NEMB = 1024, 26, 100000, 16, 64
K, C, H, OUT = 8, 2, 1024, 1
CARD = NFIELD + NFEAT + 1
IN_SZ = NFIELD * DATA_NEMB
G_IN = NFIELD * SQL_NEMB

_NC, _NS = 2, 16
_NW = _NC * _NS
_NIDX = B * NFIELD
_BPW = _NIDX // _NW

_MM_PREC = lax.Precision.DEFAULT


@functools.lru_cache(maxsize=None)
def _build_sc_gather(nemb):
    @functools.partial(
        pl.kernel,
        out_type=jax.ShapeDtypeStruct((_NIDX, nemb), jnp.float32),
        mesh=plsc.VectorSubcoreMesh(
            core_axis_name="c", subcore_axis_name="s",
            num_cores=_NC, num_subcores=_NS,
        ),
        scratch_types=[
            pltpu.VMEM((_BPW,), jnp.int32),
            pltpu.VMEM((_BPW, nemb), jnp.float32),
            pltpu.SemaphoreType.DMA,
        ],
        compiler_params=pltpu.CompilerParams(use_tc_tiling_on_sc=False),
    )
    def _sc_gather(idx_hbm, tab_hbm, out_hbm, idx_v, rows_v, sem):
        wid = lax.axis_index("s") * _NC + lax.axis_index("c")
        base = wid * _BPW
        pltpu.sync_copy(idx_hbm.at[pl.ds(base, _BPW)], idx_v)
        pltpu.async_copy(tab_hbm.at[idx_v], rows_v, sem).wait()
        pltpu.sync_copy(rows_v, out_hbm.at[pl.ds(base, _BPW)])

    return _sc_gather


def _gate_body(sql_emb_ref, wg1_ref, bg1_ref, wg2_ref, bg2_ref,
               gates_ref, loss_ref):
    gh = jnp.dot(sql_emb_ref[...], wg1_ref[...], precision=_MM_PREC)
    gh = jnp.maximum(gh + bg1_ref[...], 0.0)
    logits = jnp.dot(gh, wg2_ref[...], precision=_MM_PREC) + bg2_ref[...]
    mx = jnp.max(logits, axis=1, keepdims=True)
    e = jnp.exp(logits - mx)
    gate = e / jnp.sum(e, axis=1, keepdims=True)

    idx = lax.broadcasted_iota(jnp.int32, (B, K), 1)
    m1 = jnp.max(gate, axis=1, keepdims=True)
    i1 = jnp.min(jnp.where(gate == m1, idx, K), axis=1, keepdims=True)
    rest = jnp.where(idx == i1, -jnp.inf, gate)
    m2 = jnp.max(rest, axis=1, keepdims=True)
    i2 = jnp.min(jnp.where(rest == m2, idx, K), axis=1, keepdims=True)
    keep = (idx == i1) | (idx == i2)
    gates = jnp.where(keep, gate, 0.0) / (m1 + m2 + 1e-9)
    gates_ref[...] = gates

    imp = jnp.sum(gates, axis=0, keepdims=True)
    mi = jnp.mean(imp)
    vi = jnp.mean((imp - mi) ** 2)
    loss_ref[...] = jnp.reshape(vi / (mi * mi + 1e-10), (1, 1))


_gate_call = pl.pallas_call(
    _gate_body,
    out_shape=(
        jax.ShapeDtypeStruct((B, K), jnp.float32),
        jax.ShapeDtypeStruct((1, 1), jnp.float32),
    ),
)


def _dot_bf16(a, bmat):
    return lax.dot_general(
        a.astype(jnp.bfloat16), bmat.astype(jnp.bfloat16),
        (((1,), (0,)), ((), ())), preferred_element_type=jnp.float32)


def _bn_relu(z, g, b):
    m = jnp.mean(z, axis=0, keepdims=True)
    v = jnp.mean((z - m) ** 2, axis=0, keepdims=True)
    return jnp.maximum((z - m) * lax.rsqrt(v + 1e-5) * g + b, 0.0)


def _expert_body(gates_ref, x_emb_ref, wf1_ref, bf1_ref, g1_ref, be1_ref,
                 wf2_ref, bf2_ref, g2_ref, be2_ref,
                 wp1_ref, bp1_ref, gp1_ref, bep1_ref, wp2_ref, bp2_ref,
                 out_ref, y_ref):
    k = pl.program_id(0)

    @pl.when(k < K)
    def _():
        z = _dot_bf16(x_emb_ref[...], wf1_ref[0])
        h = _bn_relu(z + bf1_ref[0], g1_ref[0], be1_ref[0])
        z2 = _dot_bf16(h, wf2_ref[0])
        o = _bn_relu(z2 + bf2_ref[0], g2_ref[0], be2_ref[0])
        onehot = (lax.broadcasted_iota(jnp.int32, (K, 1), 0) == k
                  ).astype(jnp.float32)
        gcol = jnp.dot(gates_ref[...], onehot,
                       precision=lax.Precision.HIGHEST)
        contrib = o * gcol

        @pl.when(k == 0)
        def _():
            y_ref[...] = contrib

        @pl.when(k > 0)
        def _():
            y_ref[...] = y_ref[...] + contrib

    @pl.when(k == K)
    def _():
        z3 = _dot_bf16(y_ref[...], wp1_ref[...])
        p = _bn_relu(z3 + bp1_ref[...], gp1_ref[...], bep1_ref[...])
        out_ref[...] = (jnp.dot(p, wp2_ref[...], precision=_MM_PREC)
                        + bp2_ref[...])


def _ei(k):
    return jnp.minimum(k, K - 1)


_expert_call = pl.pallas_call(
    _expert_body,
    grid=(K + 1,),
    in_specs=[
        pl.BlockSpec((B, K), lambda k: (0, 0)),
        pl.BlockSpec((B, IN_SZ), lambda k: (0, 0)),
        pl.BlockSpec((1, IN_SZ, H), lambda k: (_ei(k), 0, 0)),
        pl.BlockSpec((1, 1, H), lambda k: (_ei(k), 0, 0)),
        pl.BlockSpec((1, 1, H), lambda k: (_ei(k), 0, 0)),
        pl.BlockSpec((1, 1, H), lambda k: (_ei(k), 0, 0)),
        pl.BlockSpec((1, H, H), lambda k: (_ei(k), 0, 0)),
        pl.BlockSpec((1, 1, H), lambda k: (_ei(k), 0, 0)),
        pl.BlockSpec((1, 1, H), lambda k: (_ei(k), 0, 0)),
        pl.BlockSpec((1, 1, H), lambda k: (_ei(k), 0, 0)),
        pl.BlockSpec((H, H), lambda k: (0, 0)),
        pl.BlockSpec((1, H), lambda k: (0, 0)),
        pl.BlockSpec((1, H), lambda k: (0, 0)),
        pl.BlockSpec((1, H), lambda k: (0, 0)),
        pl.BlockSpec((H, OUT), lambda k: (0, 0)),
        pl.BlockSpec((1, OUT), lambda k: (0, 0)),
    ],
    out_specs=pl.BlockSpec((B, OUT), lambda k: (0, 0)),
    out_shape=jax.ShapeDtypeStruct((B, OUT), jnp.float32),
    scratch_shapes=[pltpu.VMEM((B, H), jnp.float32)],
    compiler_params=pltpu.CompilerParams(vmem_limit_bytes=128 * 1024 * 1024),
)


def kernel(x, sql, sql_table, input_table, Wg1, bg1, Wg2, bg2, Wf1, bf1,
           g1, be1, Wf2, bf2, g2, be2, Wp1, bp1, gp1, bep1, Wp2, bp2):
    xf = x.reshape(_NIDX).astype(jnp.int32)
    sf = sql.reshape(_NIDX).astype(jnp.int32)
    xrows = _build_sc_gather(DATA_NEMB)(xf, input_table)
    srows = _build_sc_gather(SQL_NEMB)(sf, sql_table)
    x_emb = xrows.reshape(B, IN_SZ)
    sql_emb = srows.reshape(B, G_IN)

    gates, loss = _gate_call(sql_emb, Wg1, bg1.reshape(1, H),
                             Wg2, bg2.reshape(1, K))
    out2 = _expert_call(gates, x_emb, Wf1, bf1.reshape(K, 1, H),
                        g1.reshape(K, 1, H), be1.reshape(K, 1, H), Wf2,
                        bf2.reshape(K, 1, H), g2.reshape(K, 1, H),
                        be2.reshape(K, 1, H), Wp1, bp1.reshape(1, H),
                        gp1.reshape(1, H), bep1.reshape(1, H), Wp2,
                        bp2.reshape(1, OUT))
    return out2.reshape(B), loss.reshape(())

# --- scband reference (transcript-rebuilt; emitter-appended) ---
"""Pipeline reference for scband-vertical-mo-e-predict-sams-78941498900785 (READ-ONLY COPY).

The authoritative reference and input builder live on the scoring server;
editing this copy changes nothing except your own understanding.
"""

import jax, jax.numpy as jnp
import numpy as np

B, NFIELD, NFEAT, SQL_NEMB, DATA_NEMB = 1024, 26, 100000, 16, 64
K, C, H, OUT = 8, 2, 1024, 1
CARD = NFIELD + NFEAT + 1
IN_SZ = NFIELD * DATA_NEMB
G_IN = NFIELD * SQL_NEMB


def _xavier(k, shape):
    fan_in, fan_out = shape[-2], shape[-1]
    lim = float(np.sqrt(6.0 / (fan_in + fan_out)))
    return jax.random.uniform(k, shape, jnp.float32, -lim, lim)


def _bn(x, g, b, eps=1e-5):
    m = jnp.mean(x, axis=0, keepdims=True)
    v = jnp.var(x, axis=0, keepdims=True)
    return (x - m) / jnp.sqrt(v + eps) * g + b


def setup_inputs(seed: int = 0) -> dict:
    key = jax.random.key(seed)
    ks = jax.random.split(key, 30)
    inp = {}
    inp['x'] = jax.random.randint(ks[0], (B, NFIELD), 0, NFEAT, dtype=jnp.int64) if jax.config.jax_enable_x64 else jax.random.randint(ks[0], (B, NFIELD), 0, NFEAT)
    inp['sql'] = jax.random.randint(ks[1], (B, NFIELD), 0, CARD)
    inp['sql_table'] = _xavier(ks[2], (CARD, SQL_NEMB))
    inp['input_table'] = _xavier(ks[3], (NFEAT, DATA_NEMB))
    inp['Wg1'] = _xavier(ks[4], (G_IN, H)); inp['bg1'] = jnp.zeros((H,), jnp.float32)
    inp['Wg2'] = _xavier(ks[5], (H, K)); inp['bg2'] = jnp.zeros((K,), jnp.float32)
    inp['Wf1'] = _xavier(ks[6], (K, IN_SZ, H)); inp['bf1'] = jnp.zeros((K, H), jnp.float32)
    inp['g1'] = jnp.ones((K, H), jnp.float32); inp['be1'] = jnp.zeros((K, H), jnp.float32)
    inp['Wf2'] = _xavier(ks[7], (K, H, H)); inp['bf2'] = jnp.zeros((K, H), jnp.float32)
    inp['g2'] = jnp.ones((K, H), jnp.float32); inp['be2'] = jnp.zeros((K, H), jnp.float32)
    inp['Wp1'] = _xavier(ks[8], (H, H)); inp['bp1'] = jnp.zeros((H,), jnp.float32)
    inp['gp1'] = jnp.ones((H,), jnp.float32); inp['bep1'] = jnp.zeros((H,), jnp.float32)
    inp['Wp2'] = _xavier(ks[9], (H, OUT)); inp['bp2'] = jnp.zeros((OUT,), jnp.float32)
    return inp


def reference(x, sql, sql_table, input_table, Wg1, bg1, Wg2, bg2, Wf1, bf1, g1, be1, Wf2, bf2, g2, be2, Wp1, bp1, gp1, bep1, Wp2, bp2):
    b = x.shape[0]
    x_emb = jnp.take(input_table, x, axis=0).reshape(b, -1)
    sql_emb = jnp.take(sql_table, sql, axis=0).reshape(b, -1)
    # SparseVerticalGate: MLP -> softmax gate scores over K experts
    gh = jax.nn.relu(sql_emb @ Wg1 + bg1)
    gate = jax.nn.softmax(gh @ Wg2 + bg2, axis=-1)
    # SparseMoE: keep top-C gates, renormalize
    topv, topi = jax.lax.top_k(gate, C)
    rows = jnp.arange(b)[:, None]
    gates = jnp.zeros_like(gate).at[rows, topi].set(topv)
    gates = gates / (jnp.sum(gates, axis=-1, keepdims=True) + 1e-9)

    def expert(wf1, b1, ga1, bt1, wf2, b2, ga2, bt2):
        h = jax.nn.relu(_bn(x_emb @ wf1 + b1, ga1, bt1))
        return jax.nn.relu(_bn(h @ wf2 + b2, ga2, bt2))

    outs = jax.vmap(expert)(Wf1, bf1, g1, be1, Wf2, bf2, g2, be2)  # [K,B,H]
    y = jnp.einsum('bk,kbh->bh', gates, outs)
    importance = jnp.sum(gates, axis=0)
    loss = jnp.var(importance) / (jnp.mean(importance) ** 2 + 1e-10)
    p = jax.nn.relu(_bn(y @ Wp1 + bp1, gp1, bep1))
    out = (p @ Wp2 + bp2).squeeze(-1)
    return out, loss

if __name__ == "__main__":
    import jax
    _d = setup_inputs()
    print(jax.jit(kernel)(*tuple(_d.values())))

</pallas_src>

<mosaic_0001>
#map = affine_map<(d0, d1) -> (0)>
#map1 = affine_map<(d0, d1) -> (0, 0)>
module attributes {stable_mosaic.version = 14 : i64} {
  func.func @_sc_gather(%arg0: i32, %arg1: i32, %arg2: memref<26624xi32, #tpu.memory_space<hbm>>, %arg3: memref<100000x64xf32, #tpu.memory_space<hbm>>, %arg4: memref<26624x64xf32, #tpu.memory_space<hbm>>, %arg5: memref<832xi32, #tpu.memory_space<vmem>>, %arg6: memref<832x64xf32, #tpu.memory_space<vmem>>, %arg7: memref<!tpu.dma_semaphore, #tpu.memory_space<semaphore_mem>>) attributes {dimension_semantics = [#tpu.dimension_semantics<core_parallel>, #tpu.dimension_semantics<subcore_parallel>], iteration_bounds = array<i64: 2, 16>, scalar_prefetch = 0 : i64, scratch_operands = 3 : i64, tpu.core_type = #tpu.core_type<sc_vector_subcore>, window_params = [{transform_indices = #map}, {transform_indices = #map1}, {transform_indices = #map1}]} {
    %mul3A = arith.constant 2 : i32
    %mul3A_0 = arith.muli %arg1, %mul3A : i32
    %add3A = arith.addi %mul3A_0, %arg0 : i32
    %mul3A_1 = arith.constant 832 : i32
    %mul3A_2 = arith.muli %add3A, %mul3A_1 : i32
    "tpu.region"() ({
      %run_scoped3A = tpu.sem_alloc : memref<!tpu.dma_semaphore, #tpu.memory_space<semaphore_mem>>
      %dma_start3A_7 = tpu.memref_slice %arg2[%mul3A_2] : memref<26624xi32, #tpu.memory_space<hbm>> -> memref<832xi32, #tpu.memory_space<hbm>>
      %dma_start3A_8 = tpu.memref_slice %arg2[%mul3A_2] : memref<26624xi32, #tpu.memory_space<hbm>> -> memref<832xi32, #tpu.memory_space<hbm>>
      tpu.enqueue_dma source(%dma_start3A_8 : memref<832xi32, #tpu.memory_space<hbm>>) target(%arg5 : memref<832xi32, #tpu.memory_space<vmem>>) target_semaphore(%run_scoped3A : memref<!tpu.dma_semaphore, #tpu.memory_space<semaphore_mem>>)
      %dma_wait3A_9 = tpu.memref_slice %arg2[%mul3A_2] : memref<26624xi32, #tpu.memory_space<hbm>> -> memref<832xi32, #tpu.memory_space<hbm>>
      %dma_wait3A_10 = tpu.memref_slice %arg2[%mul3A_2] : memref<26624xi32, #tpu.memory_space<hbm>> -> memref<832xi32, #tpu.memory_space<hbm>>
      tpu.wait_dma2 semaphore(%run_scoped3A : memref<!tpu.dma_semaphore, #tpu.memory_space<semaphore_mem>>) src(%dma_wait3A_10 : memref<832xi32, #tpu.memory_space<hbm>>) dst(%arg5 : memref<832xi32, #tpu.memory_space<vmem>>)
      tpu.yield
    }) : () -> ()
    %dma_start3A = arith.constant 0 : i32
    %dma_start3A_3 = arith.constant 0 : i32
    %dma_start3A_4 = tpu.memref_slice %arg3[%dma_start3A, %dma_start3A_3] : memref<100000x64xf32, #tpu.memory_space<hbm>> -> memref<100000x64xf32, #tpu.memory_space<hbm>>
    tpu.enqueue_indirect_dma source(%dma_start3A_4 : memref<100000x64xf32, #tpu.memory_space<hbm>>) target(%arg6 : memref<832x64xf32, #tpu.memory_space<vmem>>) offsets(%arg5 : memref<832xi32, #tpu.memory_space<vmem>>) semaphore(%arg7 : memref<!tpu.dma_semaphore, #tpu.memory_space<semaphore_mem>>)
    %dma_wait3A = arith.constant 0 : i32
    %dma_wait3A_5 = arith.constant 0 : i32
    %dma_wait3A_6 = tpu.memref_slice %arg3[%dma_wait3A, %dma_wait3A_5] : memref<100000x64xf32, #tpu.memory_space<hbm>> -> memref<100000x64xf32, #tpu.memory_space<hbm>>
    tpu.wait_indirect_dma semaphore(%arg7 : memref<!tpu.dma_semaphore, #tpu.memory_space<semaphore_mem>>) src(%dma_wait3A_6 : memref<100000x64xf32, #tpu.memory_space<hbm>>) dst(%arg6 : memref<832x64xf32, #tpu.memory_space<vmem>>)
    "tpu.region"() ({
      %run_scoped3A = tpu.sem_alloc : memref<!tpu.dma_semaphore, #tpu.memory_space<semaphore_mem>>
      %dma_start3A_7 = arith.constant 0 : i32
      %dma_start3A_8 = tpu.memref_slice %arg4[%mul3A_2, %dma_start3A_7] : memref<26624x64xf32, #tpu.memory_space<hbm>> -> memref<832x64xf32, #tpu.memory_space<hbm>>
      %dma_start3A_9 = arith.constant 0 : i32
      %dma_start3A_10 = tpu.memref_slice %arg4[%mul3A_2, %dma_start3A_9] : memref<26624x64xf32, #tpu.memory_space<hbm>> -> memref<832x64xf32, #tpu.memory_space<hbm>>
      tpu.enqueue_dma source(%arg6 : memref<832x64xf32, #tpu.memory_space<vmem>>) target(%dma_start3A_10 : memref<832x64xf32, #tpu.memory_space<hbm>>) target_semaphore(%run_scoped3A : memref<!tpu.dma_semaphore, #tpu.memory_space<semaphore_mem>>)
      %dma_wait3A_11 = arith.constant 0 : i32
      %dma_wait3A_12 = tpu.memref_slice %arg4[%mul3A_2, %dma_wait3A_11] : memref<26624x64xf32, #tpu.memory_space<hbm>> -> memref<832x64xf32, #tpu.memory_space<hbm>>
      %dma_wait3A_13 = arith.constant 0 : i32
      %dma_wait3A_14 = tpu.memref_slice %arg4[%mul3A_2, %dma_wait3A_13] : memref<26624x64xf32, #tpu.memory_space<hbm>> -> memref<832x64xf32, #tpu.memory_space<hbm>>
      tpu.wait_dma2 semaphore(%run_scoped3A : memref<!tpu.dma_semaphore, #tpu.memory_space<semaphore_mem>>) src(%arg6 : memref<832x64xf32, #tpu.memory_space<vmem>>) dst(%dma_wait3A_14 : memref<832x64xf32, #tpu.memory_space<hbm>>)
      tpu.yield
    }) : () -> ()
    return
  }
}

#map = affine_map<(d0, d1) -> (0)>
#map1 = affine_map<(d0, d1) -> (0, 0)>
module attributes {stable_mosaic.version = 14 : i64} {
  func.func @_sc_gather(%arg0: i32, %arg1: i32, %arg2: memref<26624xi32, #tpu.memory_space<hbm>>, %arg3: memref<100027x16xf32, #tpu.memory_space<hbm>>, %arg4: memref<26624x16xf32, #tpu.memory_space<hbm>>, %arg5: memref<832xi32, #tpu.memory_space<vmem>>, %arg6: memref<832x16xf32, #tpu.memory_space<vmem>>, %arg7: memref<!tpu.dma_semaphore, #tpu.memory_space<semaphore_mem>>) attributes {dimension_semantics = [#tpu.dimension_semantics<core_parallel>, #tpu.dimension_semantics<subcore_parallel>], iteration_bounds = array<i64: 2, 16>, scalar_prefetch = 0 : i64, scratch_operands = 3 : i64, tpu.core_type = #tpu.core_type<sc_vector_subcore>, window_params = [{transform_indices = #map}, {transform_indices = #map1}, {transform_indices = #map1}]} {
    %mul3A = arith.constant 2 : i32
    %mul3A_0 = arith.muli %arg1, %mul3A : i32
    %add3A = arith.addi %mul3A_0, %arg0 : i32
    %mul3A_1 = arith.constant 832 : i32
    %mul3A_2 = arith.muli %add3A, %mul3A_1 : i32
    "tpu.region"() ({
      %run_scoped3A = tpu.sem_alloc : memref<!tpu.dma_semaphore, #tpu.memory_space<semaphore_mem>>
      %dma_start3A_7 = tpu.memref_slice %arg2[%mul3A_2] : memref<26624xi32, #tpu.memory_space<hbm>> -> memref<832xi32, #tpu.memory_space<hbm>>
      %dma_start3A_8 = tpu.memref_slice %arg2[%mul3A_2] : memref<26624xi32, #tpu.memory_space<hbm>> -> memref<832xi32, #tpu.memory_space<hbm>>
      tpu.enqueue_dma source(%dma_start3A_8 : memref<832xi32, #tpu.memory_space<hbm>>) target(%arg5 : memref<832xi32, #tpu.memory_space<vmem>>) target_semaphore(%run_scoped3A : memref<!tpu.dma_semaphore, #tpu.memory_space<semaphore_mem>>)
      %dma_wait3A_9 = tpu.memref_slice %arg2[%mul3A_2] : memref<26624xi32, #tpu.memory_space<hbm>> -> memref<832xi32, #tpu.memory_space<hbm>>
      %dma_wait3A_10 = tpu.memref_slice %arg2[%mul3A_2] : memref<26624xi32, #tpu.memory_space<hbm>> -> memref<832xi32, #tpu.memory_space<hbm>>
      tpu.wait_dma2 semaphore(%run_scoped3A : memref<!tpu.dma_semaphore, #tpu.memory_space<semaphore_mem>>) src(%dma_wait3A_10 : memref<832xi32, #tpu.memory_space<hbm>>) dst(%arg5 : memref<832xi32, #tpu.memory_space<vmem>>)
      tpu.yield
    }) : () -> ()
    %dma_start3A = arith.constant 0 : i32
    %dma_start3A_3 = arith.constant 0 : i32
    %dma_start3A_4 = tpu.memref_slice %arg3[%dma_start3A, %dma_start3A_3] : memref<100027x16xf32, #tpu.memory_space<hbm>> -> memref<100027x16xf32, #tpu.memory_space<hbm>>
    tpu.enqueue_indirect_dma source(%dma_start3A_4 : memref<100027x16xf32, #tpu.memory_space<hbm>>) target(%arg6 : memref<832x16xf32, #tpu.memory_space<vmem>>) offsets(%arg5 : memref<832xi32, #tpu.memory_space<vmem>>) semaphore(%arg7 : memref<!tpu.dma_semaphore, #tpu.memory_space<semaphore_mem>>)
    %dma_wait3A = arith.constant 0 : i32
    %dma_wait3A_5 = arith.constant 0 : i32
    %dma_wait3A_6 = tpu.memref_slice %arg3[%dma_wait3A, %dma_wait3A_5] : memref<100027x16xf32, #tpu.memory_space<hbm>> -> memref<100027x16xf32, #tpu.memory_space<hbm>>
    tpu.wait_indirect_dma semaphore(%arg7 : memref<!tpu.dma_semaphore, #tpu.memory_space<semaphore_mem>>) src(%dma_wait3A_6 : memref<100027x16xf32, #tpu.memory_space<hbm>>) dst(%arg6 : memref<832x16xf32, #tpu.memory_space<vmem>>)
    "tpu.region"() ({
      %run_scoped3A = tpu.sem_alloc : memref<!tpu.dma_semaphore, #tpu.memory_space<semaphore_mem>>
      %dma_start3A_7 = arith.constant 0 : i32
      %dma_start3A_8 = tpu.memref_slice %arg4[%mul3A_2, %dma_start3A_7] : memref<26624x16xf32, #tpu.memory_space<hbm>> -> memref<832x16xf32, #tpu.memory_space<hbm>>
      %dma_start3A_9 = arith.constant 0 : i32
      %dma_start3A_10 = tpu.memref_slice %arg4[%mul3A_2, %dma_start3A_9] : memref<26624x16xf32, #tpu.memory_space<hbm>> -> memref<832x16xf32, #tpu.memory_space<hbm>>
      tpu.enqueue_dma source(%arg6 : memref<832x16xf32, #tpu.memory_space<vmem>>) target(%dma_start3A_10 : memref<832x16xf32, #tpu.memory_space<hbm>>) target_semaphore(%run_scoped3A : memref<!tpu.dma_semaphore, #tpu.memory_space<semaphore_mem>>)
      %dma_wait3A_11 = arith.constant 0 : i32
      %dma_wait3A_12 = tpu.memref_slice %arg4[%mul3A_2, %dma_wait3A_11] : memref<26624x16xf32, #tpu.memory_space<hbm>> -> memref<832x16xf32, #tpu.memory_space<hbm>>
      %dma_wait3A_13 = arith.constant 0 : i32
      %dma_wait3A_14 = tpu.memref_slice %arg4[%mul3A_2, %dma_wait3A_13] : memref<26624x16xf32, #tpu.memory_space<hbm>> -> memref<832x16xf32, #tpu.memory_space<hbm>>
      tpu.wait_dma2 semaphore(%run_scoped3A : memref<!tpu.dma_semaphore, #tpu.memory_space<semaphore_mem>>) src(%arg6 : memref<832x16xf32, #tpu.memory_space<vmem>>) dst(%dma_wait3A_14 : memref<832x16xf32, #tpu.memory_space<hbm>>)
      tpu.yield
    }) : () -> ()
    return
  }
}

module attributes {stable_mosaic.version = 14 : i64} {
  func.func @_gate_body(%arg0: memref<1024x416xf32, #tpu.memory_space<vmem>>, %arg1: memref<416x1024xf32, #tpu.memory_space<vmem>>, %arg2: memref<1x1024xf32, #tpu.memory_space<vmem>>, %arg3: memref<1024x8xf32, #tpu.memory_space<vmem>>, %arg4: memref<1x8xf32, #tpu.memory_space<vmem>>, %arg5: memref<1024x8xf32, #tpu.memory_space<vmem>>, %arg6: memref<1x1xf32, #tpu.memory_space<vmem>>) attributes {dimension_semantics = [], scalar_prefetch = 0 : i64, scratch_operands = 0 : i64, tpu.core_type = #tpu.core_type<tc>} {
    %get3A = arith.constant 0 : index
    %get3A_0 = arith.constant 0 : index
    %get3A_1 = vector.load %arg0[%get3A, %get3A_0] : memref<1024x416xf32, #tpu.memory_space<vmem>>, vector<1024x416xf32>
    %get3A_2 = arith.constant 0 : index
    %get3A_3 = arith.constant 0 : index
    %get3A_4 = vector.load %arg1[%get3A_2, %get3A_3] : memref<416x1024xf32, #tpu.memory_space<vmem>>, vector<416x1024xf32>
    %dot_general3A = arith.constant dense<0.000000e+00> : vector<1024x1024xf32>
    %dot_general3A_5 = tpu.matmul %get3A_1, %get3A_4, %dot_general3A {dimension_numbers = #tpu.dot_dimension_numbers<[1], [0], [0], [1], [0, 0, 1, 1], [], []>, transpose_lhs_hint = false} : vector<1024x416xf32>, vector<416x1024xf32>, vector<1024x1024xf32> -> vector<1024x1024xf32>
    %get3A_6 = arith.constant 0 : index
    %get3A_7 = arith.constant 0 : index
    %get3A_8 = vector.load %arg2[%get3A_6, %get3A_7] : memref<1x1024xf32, #tpu.memory_space<vmem>>, vector<1x1024xf32>
    %add3A = vector.broadcast %get3A_8 : vector<1x1024xf32> to vector<1024x1024xf32>
    %add3A_9 = arith.addf %dot_general3A_5, %add3A : vector<1024x1024xf32>
    %max3A = arith.constant 0.000000e+00 : f32
    %max3A_10 = vector.broadcast %max3A : f32 to vector<1024x1024xf32>
    %max3A_11 = arith.maximumf %add3A_9, %max3A_10 : vector<1024x1024xf32>
    %get3A_12 = arith.constant 0 : index
    %get3A_13 = arith.constant 0 : index
    %get3A_14 = vector.load %arg3[%get3A_12, %get3A_13] : memref<1024x8xf32, #tpu.memory_space<vmem>>, vector<1024x8xf32>
    %dot_general3A_15 = arith.constant dense<0.000000e+00> : vector<1024x8xf32>
    %dot_general3A_16 = tpu.matmul %max3A_11, %get3A_14, %dot_general3A_15 {dimension_numbers = #tpu.dot_dimension_numbers<[1], [0], [0], [1], [0, 0, 1, 1], [], []>, transpose_lhs_hint = false} : vector<1024x1024xf32>, vector<1024x8xf32>, vector<1024x8xf32> -> vector<1024x8xf32>
    %get3A_17 = arith.constant 0 : index
    %get3A_18 = arith.constant 0 : index
    %get3A_19 = vector.load %arg4[%get3A_17, %get3A_18] : memref<1x8xf32, #tpu.memory_space<vmem>>, vector<1x8xf32>
    %add3A_20 = vector.broadcast %get3A_19 : vector<1x8xf32> to vector<1024x8xf32>
    %add3A_21 = arith.addf %dot_general3A_16, %add3A_20 : vector<1024x8xf32>
    %reduce_max3A = arith.constant dense<0xFF800000> : vector<1024xf32>
    %reduce_max3A_22 = vector.multi_reduction <maximumf>, %add3A_21, %reduce_max3A [1] : vector<1024x8xf32> to vector<1024xf32>
    %broadcast_in_dim3A = vector.shape_cast %reduce_max3A_22 : vector<1024xf32> to vector<1024x1xf32>
    %sub3A = vector.broadcast %broadcast_in_dim3A : vector<1024x1xf32> to vector<1024x8xf32>
    %sub3A_23 = arith.subf %add3A_21, %sub3A : vector<1024x8xf32>
    %exp3A = math.exp %sub3A_23 : vector<1024x8xf32>
    %reduce_sum3A = arith.constant dense<0.000000e+00> : vector<1024xf32>
    %reduce_sum3A_24 = vector.multi_reduction <add>, %exp3A, %reduce_sum3A [1] : vector<1024x8xf32> to vector<1024xf32>
    %broadcast_in_dim3A_25 = vector.shape_cast %reduce_sum3A_24 : vector<1024xf32> to vector<1024x1xf32>
    %div3A = vector.broadcast %broadcast_in_dim3A_25 : vector<1024x1xf32> to vector<1024x8xf32>
    %div3A_26 = arith.divf %exp3A, %div3A : vector<1024x8xf32>
    %iota3A = tpu.iota {dimensions = array<i32: 1>} : vector<1024x8xi32>
    %reduce_max3A_27 = arith.constant dense<0xFF800000> : vector<1024xf32>
    %reduce_max3A_28 = vector.multi_reduction <maximumf>, %div3A_26, %reduce_max3A_27 [1] : vector<1024x8xf32> to vector<1024xf32>
    %broadcast_in_dim3A_29 = vector.shape_cast %reduce_max3A_28 : vector<1024xf32> to vector<1024x1xf32>
    %eq3A = vector.broadcast %broadcast_in_dim3A_29 : vector<1024x1xf32> to vector<1024x8xf32>
    %eq3A_30 = arith.cmpf oeq, %div3A_26, %eq3A : vector<1024x8xf32>
    %jit3A = arith.constant 8 : i32
    %broadcast_in_dim3A_31 = vector.broadcast %jit3A : i32 to vector<1024x8xi32>
    %select_n3A = arith.select %eq3A_30, %iota3A, %broadcast_in_dim3A_31 : vector<1024x8xi1>, vector<1024x8xi32>
    %reduce_min3A = arith.constant dense<2147483647> : vector<1024xi32>
    %reduce_min3A_32 = vector.multi_reduction <minsi>, %select_n3A, %reduce_min3A [1] : vector<1024x8xi32> to vector<1024xi32>
    %broadcast_in_dim3A_33 = vector.shape_cast %reduce_min3A_32 : vector<1024xi32> to vector<1024x1xi32>
    %eq3A_34 = vector.broadcast %broadcast_in_dim3A_33 : vector<1024x1xi32> to vector<1024x8xi32>
    %eq3A_35 = arith.cmpi eq, %iota3A, %eq3A_34 : vector<1024x8xi32>
    %jit3A_36 = arith.constant 0xFF800000 : f32
    %broadcast_in_dim3A_37 = vector.broadcast %jit3A_36 : f32 to vector<1024x8xf32>
    %select_n3A_38 = arith.select %eq3A_35, %broadcast_in_dim3A_37, %div3A_26 : vector<1024x8xi1>, vector<1024x8xf32>
    %reduce_max3A_39 = arith.constant dense<0xFF800000> : vector<1024xf32>
    %reduce_max3A_40 = vector.multi_reduction <maximumf>, %select_n3A_38, %reduce_max3A_39 [1] : vector<1024x8xf32> to vector<1024xf32>
    %broadcast_in_dim3A_41 = vector.shape_cast %reduce_max3A_40 : vector<1024xf32> to vector<1024x1xf32>
    %eq3A_42 = vector.broadcast %broadcast_in_dim3A_41 : vector<1024x1xf32> to vector<1024x8xf32>
    %eq3A_43 = arith.cmpf oeq, %select_n3A_38, %eq3A_42 : vector<1024x8xf32>
    %jit3A_44 = arith.constant 8 : i32
    %broadcast_in_dim3A_45 = vector.broadcast %jit3A_44 : i32 to vector<1024x8xi32>
    %select_n3A_46 = arith.select %eq3A_43, %iota3A, %broadcast_in_dim3A_45 : vector<1024x8xi1>, vector<1024x8xi32>
    %reduce_min3A_47 = arith.constant dense<2147483647> : vector<1024xi32>
    %reduce_min3A_48 = vector.multi_reduction <minsi>, %select_n3A_46, %reduce_min3A_47 [1] : vector<1024x8xi32> to vector<1024xi32>
    %broadcast_in_dim3A_49 = vector.shape_cast %reduce_min3A_48 : vector<1024xi32> to vector<1024x1xi32>
    %eq3A_50 = vector.broadcast %broadcast_in_dim3A_33 : vector<1024x1xi32> to vector<1024x8xi32>
    %eq3A_51 = arith.cmpi eq, %iota3A, %eq3A_50 : vector<1024x8xi32>
    %eq3A_52 = vector.broadcast %broadcast_in_dim3A_49 : vector<1024x1xi32> to vector<1024x8xi32>
    %eq3A_53 = arith.cmpi eq, %iota3A, %eq3A_52 : vector<1024x8xi32>
    %or3A = arith.ori %eq3A_51, %eq3A_53 : vector<1024x8xi1>
    %jit3A_54 = arith.constant 0.000000e+00 : f32
    %broadcast_in_dim3A_55 = vector.broadcast %jit3A_54 : f32 to vector<1024x8xf32>
    %select_n3A_56 = arith.select %or3A, %div3A_26, %broadcast_in_dim3A_55 : vector<1024x8xi1>, vector<1024x8xf32>
    %add3A_57 = arith.addf %broadcast_in_dim3A_29, %broadcast_in_dim3A_41 : vector<1024x1xf32>
    %add3A_58 = arith.constant 9.99999971E-10 : f32
    %add3A_59 = vector.broadcast %add3A_58 : f32 to vector<1024x1xf32>
    %add3A_60 = arith.addf %add3A_57, %add3A_59 : vector<1024x1xf32>
    %div3A_61 = vector.broadcast %add3A_60 : vector<1024x1xf32> to vector<1024x8xf32>
    %div3A_62 = arith.divf %select_n3A_56, %div3A_61 : vector<1024x8xf32>
    %swap3A = arith.constant 0 : index
    %swap3A_63 = arith.constant 0 : index
    %swap3A_64 = vector.load %arg5[%swap3A, %swap3A_63] : memref<1024x8xf32, #tpu.memory_space<vmem>>, vector<1024x8xf32>
    tpu.vector_store %arg5[%swap3A, %swap3A_63], %div3A_62 {strides = array<i32>} : memref<1024x8xf32, #tpu.memory_space<vmem>>, vector<1024x8xf32>,
    %reduce_sum3A_65 = arith.constant dense<0.000000e+00> : vector<8xf32>
    %reduce_sum3A_66 = vector.multi_reduction <add>, %div3A_62, %reduce_sum3A_65 [0] : vector<1024x8xf32> to vector<8xf32>
    %broadcast_in_dim3A_67 = vector.shape_cast %reduce_sum3A_66 : vector<8xf32> to vector<1x8xf32>
    %reduce_sum3A_68 = vector.shape_cast %broadcast_in_dim3A_67 : vector<1x8xf32> to vector<1x1x8xf32>
    %reduce_sum3A_69 = arith.constant dense<0.000000e+00> : vector<1xf32>
    %reduce_sum3A_70 = vector.multi_reduction <add>, %reduce_sum3A_68, %reduce_sum3A_69 [1, 2] : vector<1x1x8xf32> to vector<1xf32>
    %reduce_sum3A_71 = vector.shape_cast %reduce_sum3A_70 : vector<1xf32> to vector<1x1x1xf32>
    %reduce_sum3A_72 = vector.extract %reduce_sum3A_71[0, 0, 0] : f32 from vector<1x1x1xf32>
    %div3A_73 = arith.constant 8.000000e+00 : f32
    %div3A_74 = arith.divf %reduce_sum3A_72, %div3A_73 : f32
    %sub3A_75 = vector.broadcast %div3A_74 : f32 to vector<1x8xf32>
    %sub3A_76 = arith.subf %broadcast_in_dim3A_67, %sub3A_75 : vector<1x8xf32>
    %integer_pow3A = arith.mulf %sub3A_76, %sub3A_76 : vector<1x8xf32>
    %reduce_sum3A_77 = vector.shape_cast %integer_pow3A : vector<1x8xf32> to vector<1x1x8xf32>
    %reduce_sum3A_78 = arith.constant dense<0.000000e+00> : vector<1xf32>
    %reduce_sum3A_79 = vector.multi_reduction <add>, %reduce_sum3A_77, %reduce_sum3A_78 [1, 2] : vector<1x1x8xf32> to vector<1xf32>
    %reduce_sum3A_80 = vector.shape_cast %reduce_sum3A_79 : vector<1xf32> to vector<1x1x1xf32>
    %reduce_sum3A_81 = vector.extract %reduce_sum3A_80[0, 0, 0] : f32 from vector<1x1x1xf32>
    %div3A_82 = arith.constant 8.000000e+00 : f32
    %div3A_83 = arith.divf %reduce_sum3A_81, %div3A_82 : f32
    %mul3A = arith.mulf %div3A_74, %div3A_74 : f32
    %add3A_84 = arith.constant 1.000000e-10 : f32
    %add3A_85 = arith.addf %mul3A, %add3A_84 : f32
    %div3A_86 = arith.divf %div3A_83, %add3A_85 : f32
    %reshape3A = vector.broadcast %div3A_86 : f32 to vector<1x1xf32>
    %swap3A_87 = arith.constant 0 : index
    %swap3A_88 = arith.constant 0 : index
    %swap3A_89 = vector.load %arg6[%swap3A_87, %swap3A_88] : memref<1x1xf32, #tpu.memory_space<vmem>>, vector<1x1xf32>
    tpu.vector_store %arg6[%swap3A_87, %swap3A_88], %reshape3A {strides = array<i32>} : memref<1x1xf32, #tpu.memory_space<vmem>>, vector<1x1xf32>,
    return
  }
}

module attributes {stable_mosaic.version = 14 : i64} {
  func.func @_expert_body(%arg0: i32, %arg1: memref<1024x8xf32, #tpu.memory_space<vmem>>, %arg2: memref<1024x1664xf32, #tpu.memory_space<vmem>>, %arg3: memref<1x1664x1024xf32, #tpu.memory_space<vmem>>, %arg4: memref<1x1x1024xf32, #tpu.memory_space<vmem>>, %arg5: memref<1x1x1024xf32, #tpu.memory_space<vmem>>, %arg6: memref<1x1x1024xf32, #tpu.memory_space<vmem>>, %arg7: memref<1x1024x1024xf32, #tpu.memory_space<vmem>>, %arg8: memref<1x1x1024xf32, #tpu.memory_space<vmem>>, %arg9: memref<1x1x1024xf32, #tpu.memory_space<vmem>>, %arg10: memref<1x1x1024xf32, #tpu.memory_space<vmem>>, %arg11: memref<1024x1024xf32, #tpu.memory_space<vmem>>, %arg12: memref<1x1024xf32, #tpu.memory_space<vmem>>, %arg13: memref<1x1024xf32, #tpu.memory_space<vmem>>, %arg14: memref<1x1024xf32, #tpu.memory_space<vmem>>, %arg15: memref<1024x1xf32, #tpu.memory_space<vmem>>, %arg16: memref<1x1xf32, #tpu.memory_space<vmem>>, %arg17: memref<1024x1xf32, #tpu.memory_space<vmem>>, %arg18: memref<1024x1024xf32, #tpu.memory_space<vmem>>) attributes {dimension_semantics = [#tpu.dimension_semantics<arbitrary>], iteration_bounds = array<i64: 9>, scalar_prefetch = 0 : i64, scratch_operands = 1 : i64, tpu.core_type = #tpu.core_type<tc>, window_params = [{pipeline_mode = #tpu.pipeline_mode<synchronous>, transform_indices = @transform_0, window_bounds = array<i64: 1024, 8>}, {pipeline_mode = #tpu.pipeline_mode<synchronous>, transform_indices = @transform_1, window_bounds = array<i64: 1024, 1664>}, {transform_indices = @transform_2, window_bounds = array<i64: 1, 1664, 1024>}, {transform_indices = @transform_3, window_bounds = array<i64: 1, 1, 1024>}, {transform_indices = @transform_4, window_bounds = array<i64: 1, 1, 1024>}, {transform_indices = @transform_5, window_bounds = array<i64: 1, 1, 1024>}, {transform_indices = @transform_6, window_bounds = array<i64: 1, 1024, 1024>}, {transform_indices = @transform_7, window_bounds = array<i64: 1, 1, 1024>}, {transform_indices = @transform_8, window_bounds = array<i64: 1, 1, 1024>}, {transform_indices = @transform_9, window_bounds = array<i64: 1, 1, 1024>}, {pipeline_mode = #tpu.pipeline_mode<synchronous>, transform_indices = @transform_10, window_bounds = array<i64: 1024, 1024>}, {pipeline_mode = #tpu.pipeline_mode<synchronous>, transform_indices = @transform_11, window_bounds = array<i64: 1, 1024>}, {pipeline_mode = #tpu.pipeline_mode<synchronous>, transform_indices = @transform_12, window_bounds = array<i64: 1, 1024>}, {pipeline_mode = #tpu.pipeline_mode<synchronous>, transform_indices = @transform_13, window_bounds = array<i64: 1, 1024>}, {pipeline_mode = #tpu.pipeline_mode<synchronous>, transform_indices = @transform_14, window_bounds = array<i64: 1024, 1>}, {pipeline_mode = #tpu.pipeline_mode<synchronous>, transform_indices = @transform_15, window_bounds = array<i64: 1, 1>}, {pipeline_mode = #tpu.pipeline_mode<synchronous>, transform_indices = @transform_16, window_bounds = array<i64: 1024, 1>}]} {
    %lt3A = arith.constant 8 : i32
    %lt3A_0 = arith.cmpi slt, %arg0, %lt3A : i32
    %convert_element_type3A = arith.extui %lt3A_0 : i1 to i32
    %cond3A = arith.constant 0 : i32
    %cond3A_1 = arith.cmpi ne, %convert_element_type3A, %cond3A : i32
    scf.if %cond3A_1 {
      %get3A = arith.constant 0 : index
      %get3A_6 = arith.constant 0 : index
      %get3A_7 = vector.load %arg2[%get3A, %get3A_6] : memref<1024x1664xf32, #tpu.memory_space<vmem>>, vector<1024x1664xf32>
      %get3A_8 = arith.constant 0 : index
      %get3A_9 = arith.constant 0 : index
      %get3A_10 = arith.constant 0 : index
      %get3A_11 = vector.load %arg3[%get3A_8, %get3A_9, %get3A_10] : memref<1x1664x1024xf32, #tpu.memory_space<vmem>>, vector<1x1664x1024xf32>
      %get3A_12 = vector.shape_cast %get3A_11 : vector<1x1664x1024xf32> to vector<1664x1024xf32>
      %convert_element_type3A_13 = arith.truncf %get3A_7 : vector<1024x1664xf32> to vector<1024x1664xbf16>
      %convert_element_type3A_14 = arith.truncf %get3A_12 : vector<1664x1024xf32> to vector<1664x1024xbf16>
      %dot_general3A = arith.constant dense<0.000000e+00> : vector<1024x1024xf32>
      %dot_general3A_15 = tpu.matmul %convert_element_type3A_13, %convert_element_type3A_14, %dot_general3A {dimension_numbers = #tpu.dot_dimension_numbers<[1], [0], [0], [1], [0, 0, 1, 1], [], []>, transpose_lhs_hint = false} : vector<1024x1664xbf16>, vector<1664x1024xbf16>, vector<1024x1024xf32> -> vector<1024x1024xf32>
      %get3A_16 = arith.constant 0 : index
      %get3A_17 = arith.constant 0 : index
      %get3A_18 = arith.constant 0 : index
      %get3A_19 = vector.load %arg4[%get3A_16, %get3A_17, %get3A_18] : memref<1x1x1024xf32, #tpu.memory_space<vmem>>, vector<1x1x1024xf32>
      %get3A_20 = vector.shape_cast %get3A_19 : vector<1x1x1024xf32> to vector<1x1024xf32>
      %add3A = vector.broadcast %get3A_20 : vector<1x1024xf32> to vector<1024x1024xf32>
      %add3A_21 = arith.addf %dot_general3A_15, %add3A : vector<1024x1024xf32>
      %get3A_22 = arith.constant 0 : index
      %get3A_23 = arith.constant 0 : index
      %get3A_24 = arith.constant 0 : index
      %get3A_25 = vector.load %arg5[%get3A_22, %get3A_23, %get3A_24] : memref<1x1x1024xf32, #tpu.memory_space<vmem>>, vector<1x1x1024xf32>
      %get3A_26 = vector.shape_cast %get3A_25 : vector<1x1x1024xf32> to vector<1x1024xf32>
      %get3A_27 = arith.constant 0 : index
      %get3A_28 = arith.constant 0 : index
      %get3A_29 = arith.constant 0 : index
      %get3A_30 = vector.load %arg6[%get3A_27, %get3A_28, %get3A_29] : memref<1x1x1024xf32, #tpu.memory_space<vmem>>, vector<1x1x1024xf32>
      %get3A_31 = vector.shape_cast %get3A_30 : vector<1x1x1024xf32> to vector<1x1024xf32>
      %reduce_sum3A = arith.constant dense<0.000000e+00> : vector<1024xf32>
      %reduce_sum3A_32 = vector.multi_reduction <add>, %add3A_21, %reduce_sum3A [0] : vector<1024x1024xf32> to vector<1024xf32>
      %broadcast_in_dim3A = vector.shape_cast %reduce_sum3A_32 : vector<1024xf32> to vector<1x1024xf32>
      %div3A = arith.constant 1.024000e+03 : f32
      %div3A_33 = vector.broadcast %div3A : f32 to vector<1x1024xf32>
      %div3A_34 = arith.divf %broadcast_in_dim3A, %div3A_33 : vector<1x1024xf32>
      %sub3A = vector.broadcast %div3A_34 : vector<1x1024xf32> to vector<1024x1024xf32>
      %sub3A_35 = arith.subf %add3A_21, %sub3A : vector<1024x1024xf32>
      %integer_pow3A = arith.mulf %sub3A_35, %sub3A_35 : vector<1024x1024xf32>
      %reduce_sum3A_36 = arith.constant dense<0.000000e+00> : vector<1024xf32>
      %reduce_sum3A_37 = vector.multi_reduction <add>, %integer_pow3A, %reduce_sum3A_36 [0] : vector<1024x1024xf32> to vector<1024xf32>
      %broadcast_in_dim3A_38 = vector.shape_cast %reduce_sum3A_37 : vector<1024xf32> to vector<1x1024xf32>
      %div3A_39 = arith.constant 1.024000e+03 : f32
      %div3A_40 = vector.broadcast %div3A_39 : f32 to vector<1x1024xf32>
      %div3A_41 = arith.divf %broadcast_in_dim3A_38, %div3A_40 : vector<1x1024xf32>
      %sub3A_42 = vector.broadcast %div3A_34 : vector<1x1024xf32> to vector<1024x1024xf32>
      %sub3A_43 = arith.subf %add3A_21, %sub3A_42 : vector<1024x1024xf32>
      %add3A_44 = arith.constant 9.99999974E-6 : f32
      %add3A_45 = vector.broadcast %add3A_44 : f32 to vector<1x1024xf32>
      %add3A_46 = arith.addf %div3A_41, %add3A_45 : vector<1x1024xf32>
      %rsqrt3A = math.rsqrt %add3A_46 : vector<1x1024xf32>
      %mul3A = vector.broadcast %rsqrt3A : vector<1x1024xf32> to vector<1024x1024xf32>
      %mul3A_47 = arith.mulf %sub3A_43, %mul3A : vector<1024x1024xf32>
      %mul3A_48 = vector.broadcast %get3A_26 : vector<1x1024xf32> to vector<1024x1024xf32>
      %mul3A_49 = arith.mulf %mul3A_47, %mul3A_48 : vector<1024x1024xf32>
      %add3A_50 = vector.broadcast %get3A_31 : vector<1x1024xf32> to vector<1024x1024xf32>
      %add3A_51 = arith.addf %mul3A_49, %add3A_50 : vector<1024x1024xf32>
      %max3A = arith.constant 0.000000e+00 : f32
      %max3A_52 = vector.broadcast %max3A : f32 to vector<1024x1024xf32>
      %max3A_53 = arith.maximumf %add3A_51, %max3A_52 : vector<1024x1024xf32>
      %get3A_54 = arith.constant 0 : index
      %get3A_55 = arith.constant 0 : index
      %get3A_56 = arith.constant 0 : index
      %get3A_57 = vector.load %arg7[%get3A_54, %get3A_55, %get3A_56] : memref<1x1024x1024xf32, #tpu.memory_space<vmem>>, vector<1x1024x1024xf32>
      %get3A_58 = vector.shape_cast %get3A_57 : vector<1x1024x1024xf32> to vector<1024x1024xf32>
      %convert_element_type3A_59 = arith.truncf %max3A_53 : vector<1024x1024xf32> to vector<1024x1024xbf16>
      %convert_element_type3A_60 = arith.truncf %get3A_58 : vector<1024x1024xf32> to vector<1024x1024xbf16>
      %dot_general3A_61 = arith.constant dense<0.000000e+00> : vector<1024x1024xf32>
      %dot_general3A_62 = tpu.matmul %convert_element_type3A_59, %convert_element_type3A_60, %dot_general3A_61 {dimension_numbers = #tpu.dot_dimension_numbers<[1], [0], [0], [1], [0, 0, 1, 1], [], []>, transpose_lhs_hint = false} : vector<1024x1024xbf16>, vector<1024x1024xbf16>, vector<1024x1024xf32> -> vector<1024x1024xf32>
      %get3A_63 = arith.constant 0 : index
      %get3A_64 = arith.constant 0 : index
      %get3A_65 = arith.constant 0 : index
      %get3A_66 = vector.load %arg8[%get3A_63, %get3A_64, %get3A_65] : memref<1x1x1024xf32, #tpu.memory_space<vmem>>, vector<1x1x1024xf32>
      %get3A_67 = vector.shape_cast %get3A_66 : vector<1x1x1024xf32> to vector<1x1024xf32>
      %add3A_68 = vector.broadcast %get3A_67 : vector<1x1024xf32> to vector<1024x1024xf32>
      %add3A_69 = arith.addf %dot_general3A_62, %add3A_68 : vector<1024x1024xf32>
      %get3A_70 = arith.constant 0 : index
      %get3A_71 = arith.constant 0 : index
      %get3A_72 = arith.constant 0 : index
      %get3A_73 = vector.load %arg9[%get3A_70, %get3A_71, %get3A_72] : memref<1x1x1024xf32, #tpu.memory_space<vmem>>, vector<1x1x1024xf32>
      %get3A_74 = vector.shape_cast %get3A_73 : vector<1x1x1024xf32> to vector<1x1024xf32>
      %get3A_75 = arith.constant 0 : index
      %get3A_76 = arith.constant 0 : index
      %get3A_77 = arith.constant 0 : index
      %get3A_78 = vector.load %arg10[%get3A_75, %get3A_76, %get3A_77] : memref<1x1x1024xf32, #tpu.memory_space<vmem>>, vector<1x1x1024xf32>
      %get3A_79 = vector.shape_cast %get3A_78 : vector<1x1x1024xf32> to vector<1x1024xf32>
      %reduce_sum3A_80 = arith.constant dense<0.000000e+00> : vector<1024xf32>
      %reduce_sum3A_81 = vector.multi_reduction <add>, %add3A_69, %reduce_sum3A_80 [0] : vector<1024x1024xf32> to vector<1024xf32>
      %broadcast_in_dim3A_82 = vector.shape_cast %reduce_sum3A_81 : vector<1024xf32> to vector<1x1024xf32>
      %div3A_83 = arith.constant 1.024000e+03 : f32
      %div3A_84 = vector.broadcast %div3A_83 : f32 to vector<1x1024xf32>
      %div3A_85 = arith.divf %broadcast_in_dim3A_82, %div3A_84 : vector<1x1024xf32>
      %sub3A_86 = vector.broadcast %div3A_85 : vector<1x1024xf32> to vector<1024x1024xf32>
      %sub3A_87 = arith.subf %add3A_69, %sub3A_86 : vector<1024x1024xf32>
      %integer_pow3A_88 = arith.mulf %sub3A_87, %sub3A_87 : vector<1024x1024xf32>
      %reduce_sum3A_89 = arith.constant dense<0.000000e+00> : vector<1024xf32>
      %reduce_sum3A_90 = vector.multi_reduction <add>, %integer_pow3A_88, %reduce_sum3A_89 [0] : vector<1024x1024xf32> to vector<1024xf32>
      %broadcast_in_dim3A_91 = vector.shape_cast %reduce_sum3A_90 : vector<1024xf32> to vector<1x1024xf32>
      %div3A_92 = arith.constant 1.024000e+03 : f32
      %div3A_93 = vector.broadcast %div3A_92 : f32 to vector<1x1024xf32>
      %div3A_94 = arith.divf %broadcast_in_dim3A_91, %div3A_93 : vector<1x1024xf32>
      %sub3A_95 = vector.broadcast %div3A_85 : vector<1x1024xf32> to vector<1024x1024xf32>
      %sub3A_96 = arith.subf %add3A_69, %sub3A_95 : vector<1024x1024xf32>
      %add3A_97 = arith.constant 9.99999974E-6 : f32
      %add3A_98 = vector.broadcast %add3A_97 : f32 to vector<1x1024xf32>
      %add3A_99 = arith.addf %div3A_94, %add3A_98 : vector<1x1024xf32>
      %rsqrt3A_100 = math.rsqrt %add3A_99 : vector<1x1024xf32>
      %mul3A_101 = vector.broadcast %rsqrt3A_100 : vector<1x1024xf32> to vector<1024x1024xf32>
      %mul3A_102 = arith.mulf %sub3A_96, %mul3A_101 : vector<1024x1024xf32>
      %mul3A_103 = vector.broadcast %get3A_74 : vector<1x1024xf32> to vector<1024x1024xf32>
      %mul3A_104 = arith.mulf %mul3A_102, %mul3A_103 : vector<1024x1024xf32>
      %add3A_105 = vector.broadcast %get3A_79 : vector<1x1024xf32> to vector<1024x1024xf32>
      %add3A_106 = arith.addf %mul3A_104, %add3A_105 : vector<1024x1024xf32>
      %max3A_107 = arith.constant 0.000000e+00 : f32
      %max3A_108 = vector.broadcast %max3A_107 : f32 to vector<1024x1024xf32>
      %max3A_109 = arith.maximumf %add3A_106, %max3A_108 : vector<1024x1024xf32>
      %iota3A = tpu.iota {dimensions = array<i32: 0>} : vector<8x1xi32>
      %eq3A_110 = vector.broadcast %arg0 : i32 to vector<8x1xi32>
      %eq3A_111 = arith.cmpi eq, %iota3A, %eq3A_110 : vector<8x1xi32>
      %convert_element_type3A_112 = arith.extui %eq3A_111 : vector<8x1xi1> to vector<8x1xi32>
      %convert_element_type3A_113 = arith.sitofp %convert_element_type3A_112 : vector<8x1xi32> to vector<8x1xf32>
      %get3A_114 = arith.constant 0 : index
      %get3A_115 = arith.constant 0 : index
      %get3A_116 = vector.load %arg1[%get3A_114, %get3A_115] : memref<1024x8xf32, #tpu.memory_space<vmem>>, vector<1024x8xf32>
      %dot_general3A_117 = arith.constant dense<0.000000e+00> : vector<1024x1xf32>
      %dot_general3A_118 = tpu.matmul %get3A_116, %convert_element_type3A_113, %dot_general3A_117 {dimension_numbers = #tpu.dot_dimension_numbers<[1], [0], [0], [1], [0, 0, 1, 1], [], []>, precision = #tpu.contract_precision<fp32>, transpose_lhs_hint = false} : vector<1024x8xf32>, vector<8x1xf32>, vector<1024x1xf32> -> vector<1024x1xf32>
      %mul3A_119 = vector.broadcast %dot_general3A_118 : vector<1024x1xf32> to vector<1024x1024xf32>
      %mul3A_120 = arith.mulf %max3A_109, %mul3A_119 : vector<1024x1024xf32>
      %eq3A_121 = arith.constant 0 : i32
      %eq3A_122 = arith.cmpi eq, %arg0, %eq3A_121 : i32
      %convert_element_type3A_123 = arith.extui %eq3A_122 : i1 to i32
      %cond3A_124 = arith.constant 0 : i32
      %cond3A_125 = arith.cmpi ne, %convert_element_type3A_123, %cond3A_124 : i32
      scf.if %cond3A_125 {
        %swap3A = arith.constant 0 : index
        %swap3A_130 = arith.constant 0 : index
        %swap3A_131 = vector.load %arg18[%swap3A, %swap3A_130] : memref<1024x1024xf32, #tpu.memory_space<vmem>>, vector<1024x1024xf32>
        tpu.vector_store %arg18[%swap3A, %swap3A_130], %mul3A_120 {strides = array<i32>} : memref<1024x1024xf32, #tpu.memory_space<vmem>>, vector<1024x1024xf32>,
      } else {
      }
      %gt3A = arith.constant 0 : i32
      %gt3A_126 = arith.cmpi sgt, %arg0, %gt3A : i32
      %convert_element_type3A_127 = arith.extui %gt3A_126 : i1 to i32
      %cond3A_128 = arith.constant 0 : i32
      %cond3A_129 = arith.cmpi ne, %convert_element_type3A_127, %cond3A_128 : i32
      scf.if %cond3A_129 {
        %get3A_130 = arith.constant 0 : index
        %get3A_131 = arith.constant 0 : index
        %get3A_132 = vector.load %arg18[%get3A_130, %get3A_131] : memref<1024x1024xf32, #tpu.memory_space<vmem>>, vector<1024x1024xf32>
        %add3A_133 = arith.addf %get3A_132, %mul3A_120 : vector<1024x1024xf32>
        %swap3A = arith.constant 0 : index
        %swap3A_134 = arith.constant 0 : index
        %swap3A_135 = vector.load %arg18[%swap3A, %swap3A_134] : memref<1024x1024xf32, #tpu.memory_space<vmem>>, vector<1024x1024xf32>
        tpu.vector_store %arg18[%swap3A, %swap3A_134], %add3A_133 {strides = array<i32>} : memref<1024x1024xf32, #tpu.memory_space<vmem>>, vector<1024x1024xf32>,
      } else {
      }
    } else {
    }
    %eq3A = arith.constant 8 : i32
    %eq3A_2 = arith.cmpi eq, %arg0, %eq3A : i32
    %convert_element_type3A_3 = arith.extui %eq3A_2 : i1 to i32
    %cond3A_4 = arith.constant 0 : i32
    %cond3A_5 = arith.cmpi ne, %convert_element_type3A_3, %cond3A_4 : i32
    scf.if %cond3A_5 {
      %get3A = arith.constant 0 : index
      %get3A_6 = arith.constant 0 : index
      %get3A_7 = vector.load %arg18[%get3A, %get3A_6] : memref<1024x1024xf32, #tpu.memory_space<vmem>>, vector<1024x1024xf32>
      %get3A_8 = arith.constant 0 : index
      %get3A_9 = arith.constant 0 : index
      %get3A_10 = vector.load %arg11[%get3A_8, %get3A_9] : memref<1024x1024xf32, #tpu.memory_space<vmem>>, vector<1024x1024xf32>
      %convert_element_type3A_11 = arith.truncf %get3A_7 : vector<1024x1024xf32> to vector<1024x1024xbf16>
      %convert_element_type3A_12 = arith.truncf %get3A_10 : vector<1024x1024xf32> to vector<1024x1024xbf16>
      %dot_general3A = arith.constant dense<0.000000e+00> : vector<1024x1024xf32>
      %dot_general3A_13 = tpu.matmul %convert_element_type3A_11, %convert_element_type3A_12, %dot_general3A {dimension_numbers = #tpu.dot_dimension_numbers<[1], [0], [0], [1], [0, 0, 1, 1], [], []>, transpose_lhs_hint = false} : vector<1024x1024xbf16>, vector<1024x1024xbf16>, vector<1024x1024xf32> -> vector<1024x1024xf32>
      %get3A_14 = arith.constant 0 : index
      %get3A_15 = arith.constant 0 : index
      %get3A_16 = vector.load %arg12[%get3A_14, %get3A_15] : memref<1x1024xf32, #tpu.memory_space<vmem>>, vector<1x1024xf32>
      %add3A = vector.broadcast %get3A_16 : vector<1x1024xf32> to vector<1024x1024xf32>
      %add3A_17 = arith.addf %dot_general3A_13, %add3A : vector<1024x1024xf32>
      %get3A_18 = arith.constant 0 : index
      %get3A_19 = arith.constant 0 : index
      %get3A_20 = vector.load %arg13[%get3A_18, %get3A_19] : memref<1x1024xf32, #tpu.memory_space<vmem>>, vector<1x1024xf32>
      %get3A_21 = arith.constant 0 : index
      %get3A_22 = arith.constant 0 : index
      %get3A_23 = vector.load %arg14[%get3A_21, %get3A_22] : memref<1x1024xf32, #tpu.memory_space<vmem>>, vector<1x1024xf32>
      %reduce_sum3A = arith.constant dense<0.000000e+00> : vector<1024xf32>
      %reduce_sum3A_24 = vector.multi_reduction <add>, %add3A_17, %reduce_sum3A [0] : vector<1024x1024xf32> to vector<1024xf32>
      %broadcast_in_dim3A = vector.shape_cast %reduce_sum3A_24 : vector<1024xf32> to vector<1x1024xf32>
      %div3A = arith.constant 1.024000e+03 : f32
      %div3A_25 = vector.broadcast %div3A : f32 to vector<1x1024xf32>
      %div3A_26 = arith.divf %broadcast_in_dim3A, %div3A_25 : vector<1x1024xf32>
      %sub3A = vector.broadcast %div3A_26 : vector<1x1024xf32> to vector<1024x1024xf32>
      %sub3A_27 = arith.subf %add3A_17, %sub3A : vector<1024x1024xf32>
      %integer_pow3A = arith.mulf %sub3A_27, %sub3A_27 : vector<1024x1024xf32>
      %reduce_sum3A_28 = arith.constant dense<0.000000e+00> : vector<1024xf32>
      %reduce_sum3A_29 = vector.multi_reduction <add>, %integer_pow3A, %reduce_sum3A_28 [0] : vector<1024x1024xf32> to vector<1024xf32>
      %broadcast_in_dim3A_30 = vector.shape_cast %reduce_sum3A_29 : vector<1024xf32> to vector<1x1024xf32>
      %div3A_31 = arith.constant 1.024000e+03 : f32
      %div3A_32 = vector.broadcast %div3A_31 : f32 to vector<1x1024xf32>
      %div3A_33 = arith.divf %broadcast_in_dim3A_30, %div3A_32 : vector<1x1024xf32>
      %sub3A_34 = vector.broadcast %div3A_26 : vector<1x1024xf32> to vector<1024x1024xf32>
      %sub3A_35 = arith.subf %add3A_17, %sub3A_34 : vector<1024x1024xf32>
      %add3A_36 = arith.constant 9.99999974E-6 : f32
      %add3A_37 = vector.broadcast %add3A_36 : f32 to vector<1x1024xf32>
      %add3A_38 = arith.addf %div3A_33, %add3A_37 : vector<1x1024xf32>
      %rsqrt3A = math.rsqrt %add3A_38 : vector<1x1024xf32>
      %mul3A = vector.broadcast %rsqrt3A : vector<1x1024xf32> to vector<1024x1024xf32>
      %mul3A_39 = arith.mulf %sub3A_35, %mul3A : vector<1024x1024xf32>
      %mul3A_40 = vector.broadcast %get3A_20 : vector<1x1024xf32> to vector<1024x1024xf32>
      %mul3A_41 = arith.mulf %mul3A_39, %mul3A_40 : vector<1024x1024xf32>
      %add3A_42 = vector.broadcast %get3A_23 : vector<1x1024xf32> to vector<1024x1024xf32>
      %add3A_43 = arith.addf %mul3A_41, %add3A_42 : vector<1024x1024xf32>
      %max3A = arith.constant 0.000000e+00 : f32
      %max3A_44 = vector.broadcast %max3A : f32 to vector<1024x1024xf32>
      %max3A_45 = arith.maximumf %add3A_43, %max3A_44 : vector<1024x1024xf32>
      %get3A_46 = arith.constant 0 : index
      %get3A_47 = arith.constant 0 : index
      %get3A_48 = vector.load %arg15[%get3A_46, %get3A_47] : memref<1024x1xf32, #tpu.memory_space<vmem>>, vector<1024x1xf32>
      %dot_general3A_49 = arith.constant dense<0.000000e+00> : vector<1024x1xf32>
      %dot_general3A_50 = tpu.matmul %max3A_45, %get3A_48, %dot_general3A_49 {dimension_numbers = #tpu.dot_dimension_numbers<[1], [0], [0], [1], [0, 0, 1, 1], [], []>, transpose_lhs_hint = false} : vector<1024x1024xf32>, vector<1024x1xf32>, vector<1024x1xf32> -> vector<1024x1xf32>
      %get3A_51 = arith.constant 0 : index
      %get3A_52 = arith.constant 0 : index
      %get3A_53 = vector.load %arg16[%get3A_51, %get3A_52] : memref<1x1xf32, #tpu.memory_space<vmem>>, vector<1x1xf32>
      %add3A_54 = vector.broadcast %get3A_53 : vector<1x1xf32> to vector<1024x1xf32>
      %add3A_55 = arith.addf %dot_general3A_50, %add3A_54 : vector<1024x1xf32>
      %swap3A = arith.constant 0 : index
      %swap3A_56 = arith.constant 0 : index
      %swap3A_57 = vector.load %arg17[%swap3A, %swap3A_56] : memref<1024x1xf32, #tpu.memory_space<vmem>>, vector<1024x1xf32>
      tpu.vector_store %arg17[%swap3A, %swap3A_56], %add3A_55 {strides = array<i32>} : memref<1024x1xf32, #tpu.memory_space<vmem>>, vector<1024x1xf32>,
    } else {
    }
    return
  }
  func.func @transform_0(%arg0: i32) -> (i32, i32) {
    %c0_i32 = arith.constant 0 : i32
    %c0_i32_0 = arith.constant 0 : i32
    %c0_i32_1 = arith.constant 0 : i32
    return %c0_i32, %c0_i32_0 : i32, i32
  }
  func.func @transform_1(%arg0: i32) -> (i32, i32) {
    %c0_i32 = arith.constant 0 : i32
    %c0_i32_0 = arith.constant 0 : i32
    %c0_i32_1 = arith.constant 0 : i32
    return %c0_i32, %c0_i32_0 : i32, i32
  }
  func.func @transform_2(%arg0: i32) -> (i32, i32, i32) {
    %min3A = arith.constant 7 : i32
    %min3A_0 = arith.minsi %arg0, %min3A : i32
    %c0_i32 = arith.constant 0 : i32
    %c0_i32_1 = arith.constant 0 : i32
    %c0_i32_2 = arith.constant 0 : i32
    return %min3A_0, %c0_i32, %c0_i32_1 : i32, i32, i32
  }
  func.func @transform_3(%arg0: i32) -> (i32, i32, i32) {
    %min3A = arith.constant 7 : i32
    %min3A_0 = arith.minsi %arg0, %min3A : i32
    %c0_i32 = arith.constant 0 : i32
    %c0_i32_1 = arith.constant 0 : i32
    %c0_i32_2 = arith.constant 0 : i32
    return %min3A_0, %c0_i32, %c0_i32_1 : i32, i32, i32
  }
  func.func @transform_4(%arg0: i32) -> (i32, i32, i32) {
    %min3A = arith.constant 7 : i32
    %min3A_0 = arith.minsi %arg0, %min3A : i32
    %c0_i32 = arith.constant 0 : i32
    %c0_i32_1 = arith.constant 0 : i32
    %c0_i32_2 = arith.constant 0 : i32
    return %min3A_0, %c0_i32, %c0_i32_1 : i32, i32, i32
  }
  func.func @transform_5(%arg0: i32) -> (i32, i32, i32) {
    %min3A = arith.constant 7 : i32
    %min3A_0 = arith.minsi %arg0, %min3A : i32
    %c0_i32 = arith.constant 0 : i32
    %c0_i32_1 = arith.constant 0 : i32
    %c0_i32_2 = arith.constant 0 : i32
    return %min3A_0, %c0_i32, %c0_i32_1 : i32, i32, i32
  }
  func.func @transform_6(%arg0: i32) -> (i32, i32, i32) {
    %min3A = arith.constant 7 : i32
    %min3A_0 = arith.minsi %arg0, %min3A : i32
    %c0_i32 = arith.constant 0 : i32
    %c0_i32_1 = arith.constant 0 : i32
    %c0_i32_2 = arith.constant 0 : i32
    return %min3A_0, %c0_i32, %c0_i32_1 : i32, i32, i32
  }
  func.func @transform_7(%arg0: i32) -> (i32, i32, i32) {
    %min3A = arith.constant 7 : i32
    %min3A_0 = arith.minsi %arg0, %min3A : i32
    %c0_i32 = arith.constant 0 : i32
    %c0_i32_1 = arith.constant 0 : i32
    %c0_i32_2 = arith.constant 0 : i32
    return %min3A_0, %c0_i32, %c0_i32_1 : i32, i32, i32
  }
  func.func @transform_8(%arg0: i32) -> (i32, i32, i32) {
    %min3A = arith.constant 7 : i32
    %min3A_0 = arith.minsi %arg0, %min3A : i32
    %c0_i32 = arith.constant 0 : i32
    %c0_i32_1 = arith.constant 0 : i32
    %c0_i32_2 = arith.constant 0 : i32
    return %min3A_0, %c0_i32, %c0_i32_1 : i32, i32, i32
  }
  func.func @transform_9(%arg0: i32) -> (i32, i32, i32) {
    %min3A = arith.constant 7 : i32
    %min3A_0 = arith.minsi %arg0, %min3A : i32
    %c0_i32 = arith.constant 0 : i32
    %c0_i32_1 = arith.constant 0 : i32
    %c0_i32_2 = arith.constant 0 : i32
    return %min3A_0, %c0_i32, %c0_i32_1 : i32, i32, i32
  }
  func.func @transform_10(%arg0: i32) -> (i32, i32) {
    %c0_i32 = arith.constant 0 : i32
    %c0_i32_0 = arith.constant 0 : i32
    %c0_i32_1 = arith.constant 0 : i32
    return %c0_i32, %c0_i32_0 : i32, i32
  }
  func.func @transform_11(%arg0: i32) -> (i32, i32) {
    %c0_i32 = arith.constant 0 : i32
    %c0_i32_0 = arith.constant 0 : i32
    %c0_i32_1 = arith.constant 0 : i32
    return %c0_i32, %c0_i32_0 : i32, i32
  }
  func.func @transform_12(%arg0: i32) -> (i32, i32) {
    %c0_i32 = arith.constant 0 : i32
    %c0_i32_0 = arith.constant 0 : i32
    %c0_i32_1 = arith.constant 0 : i32
    return %c0_i32, %c0_i32_0 : i32, i32
  }
  func.func @transform_13(%arg0: i32) -> (i32, i32) {
    %c0_i32 = arith.constant 0 : i32
    %c0_i32_0 = arith.constant 0 : i32
    %c0_i32_1 = arith.constant 0 : i32
    return %c0_i32, %c0_i32_0 : i32, i32
  }
  func.func @transform_14(%arg0: i32) -> (i32, i32) {
    %c0_i32 = arith.constant 0 : i32
    %c0_i32_0 = arith.constant 0 : i32
    %c0_i32_1 = arith.constant 0 : i32
    return %c0_i32, %c0_i32_0 : i32, i32
  }
  func.func @transform_15(%arg0: i32) -> (i32, i32) {
    %c0_i32 = arith.constant 0 : i32
    %c0_i32_0 = arith.constant 0 : i32
    %c0_i32_1 = arith.constant 0 : i32
    return %c0_i32, %c0_i32_0 : i32, i32
  }
  func.func @transform_16(%arg0: i32) -> (i32, i32) {
    %c0_i32 = arith.constant 0 : i32
    %c0_i32_0 = arith.constant 0 : i32
    %c0_i32_1 = arith.constant 0 : i32
    return %c0_i32, %c0_i32_0 : i32, i32
  }
}

</mosaic_0001>

<sc_bundles>
// kernel: kernel.6.cloned.1.call-start
scs
__scs_entry_jumppad:
0x0: {  	(pc) =	sbr.rel $0x88, $3  }
0x1: {  	(tag) =	ssettag $0x0;
	lr =	simm.s32 $0x1  }
0x2: {  	[smem:$0x3F8B] =	sst lr;
	_ =	strace $0xD0000000  }
0x3: {  	_ = 	snop  }
0x4: {  	_ = 	snop  }
0x5: {  	_ = 	snop  }
0x6: {  	_ = 	snop  }
0x7: {  	_ = 	snop  }
__scs_overlays_trampoline_lowered:
0x8: {  	[smem:$0x3F9A] =	sst s0  }
0x9: {  	[smem:$0x3F9B] =	sst s1  }
0xa: {  	[smem:$0x3F9C] =	sst s2  }
0xb: {  	[smem:$0x3F9D] =	sst s3  }
0xc: {  	[smem:$0x3F9E] =	sst s4  }
0xd: {  	[smem:$0x3F9F] =	sst s5  }
0xe: {  	[smem:$0x3FA0] =	sst s6  }
0xf: {  	[smem:$0x3FA1] =	sst s7  }
0x10: {  	[smem:$0x3FA2] =	sst s8  }
0x11: {  	[smem:$0x3FA3] =	sst s9;
	s0 =	simm.s32 @!p0 $0x0  }
0x12: {  	s1 =	sld [smem:$0x3F89];
	s0 =	simm.s32 @p0 $0x1  }
0x13: {  	[smem:$0x3FA4] =	sst s0;
	s0 =	simm.s32 @!p1 $0x0  }
0x14: {  	s2 =	sld [smem:$0x3F88];
	s0 =	simm.s32 @p1 $0x1  }
0x15: {  	[smem:$0x3FA5] =	sst s0;
	s0 =	simm.s32 @!p2 $0x0  }
0x16: {  	s3 =	sld [smem:$0x3FDB];
	s0 =	simm.s32 @p2 $0x1  }
0x17: {  	s4 =	simm.s32 $0x1BF5;
	[smem:$0x3FA7] =	sst s0  }
0x18: {  	s0 =	sld [smem:$0x3F8A];
	_ =	swait.ge [sflag:s4], $0x0  }
0x19: {  	s7 =	sld [smem:$0x3F8B]  }
0x1a: {  	s8 =	sadd.s32 $0xFFFFE003, lr  }
0x1b: {  	s9 =	sadd.s32 $0xFFFFFEF7, lr;
	s5 =	simm.s32 $0xFFFFFFFF;
	p2 =	slt.u32 s8, $0xFFFFF086  }
0x1c: {  	p1 =	slt.u32 s9, $0xF7A;
	s5 =	simm.s32 @!p2 $0x0  }
0x1d: {  	s5 =	simm.s32 @p1 $0x1;
	p0 =	seq.s32 s7, s2  }
0x1e: {  	s7 =	smul.u32 @!p0 $0xF7A, s2;
	p2 =	seq.s32 @!p0 s5, $0x0  }
0x1f: {  	s9 =	smul.u32 $0xF7A, s1;
	s8 =	simm.s32 @!p0 $0x1BF5;
	p2 =	por !p2, p0  }
0x20: {  	[sflag:s8] =	ssyncset.s32 @!p0 $0xFFFFF086;
	s6 =	sadd.s32 @!p0 s3, s7;
	s7 =	simm.s32 @!p0 $0x108  }
0x21: {  	s3 =	sadd.s32 s3, s9;
	s6 =	sadd.s32 @!p0 $0x88, s6;
	s7 =	simm.s32 @p2 $0x1082  }
0x22: {  	[simem:s7], [sflag:s8] =	dma.local @!p0 [hbm:s6], $0xF7A  }
0x23: {  	s9 =	sor.u32 $0xD0000000, s2;
	s6 =	simm.s32 $0x108;
	_ =	swait.ge @!p0 [sflag:s8], $0x0  }
0x24: {  	s3 =	sadd.s32 $0x88, s3;
	s6 =	simm.s32 @!p1 $0x1082;
	[sflag:s4] =	ssyncset.s32 $0xFFFFF086  }
0x25: {  	[simem:s6], [sflag:s4] =	dma.local [hbm:s3], $0xF7A  }
0x26: {  	[smem:$0x3F8B] =	sst s1;
	(tag) =	ssettag s2;
	_ =	strace s9  }
0x27: {  	s1 =	sld [smem:$0x3F9B]  }
0x28: {  	s2 =	sld [smem:$0x3F9C]  }
0x29: {  	s4 =	sld [smem:$0x3F9E]  }
0x2a: {  	p0 =	seq.s32 s5, $0x0;
	s5 =	sld [smem:$0x3F9F]  }
0x2b: {  	s6 =	sld [smem:$0x3FA0]  }
0x2c: {  	s7 =	sld [smem:$0x3FA1]  }
0x2d: {  	s3 =	simm.s32 $0x108;
	s8 =	sld [smem:$0x3FA2]  }
0x2e: {  	s3 =	simm.s32 @!p0 $0x1082;
	s9 =	sld [smem:$0x3FA3]  }
0x2f: {  	lr =	sadd.s32 s0, s3;
	s0 =	sld [smem:$0x3F9A]  }
0x30: {  	s3 =	sld [smem:$0x3F9D]  }
0x31: {  	[smem:$0x3FA6] =	sst s10  }
0x32: {  	s10 =	sld [smem:$0x3FA4];
	_ =	sdelay $0x3  }
0x33: {  	p0 =	seq.s32 s10, $0x1;
	s10 =	sld [smem:$0x3FA6];
	_ =	sdelay $0x3  }
0x34: {  	[smem:$0x3FA6] =	sst s10  }
0x35: {  	s10 =	sld [smem:$0x3FA5];
	_ =	sdelay $0x3  }
0x36: {  	p1 =	seq.s32 s10, $0x1;
	s10 =	sld [smem:$0x3FA6];
	_ =	sdelay $0x3  }
0x37: {  	[smem:$0x3FA6] =	sst s10  }
0x38: {  	s10 =	sld [smem:$0x3FA7]  }
0x39: {  	_ = 	snop;
	(pc) =	sbr.ind lr, $3  }
0x3a: {  	_ = 	snop  }
0x3b: {  	_ = 	snop  }
0x3c: {  	p2 =	seq.s32 s10, $0x1;
	s10 =	sld [smem:$0x3FA6]  }
0x3d: {  	_ =	shalt  }
0x3e: {  	_ =	shalt  }
0x3f: {  	_ =	shalt  }
0x40: {  	_ =	shalt  }
0x41: {  	_ =	shalt  }
0x42: {  	_ =	shalt  }
0x43: {  	_ =	shalt  }
0x44: {  	_ =	shalt  }
0x45: {  	_ =	shalt  }
0x46: {  	_ =	shalt  }
0x47: {  	_ =	shalt  }
0x48: {  	_ =	shalt  }
0x49: {  	_ =	shalt  }
0x4a: {  	_ =	shalt  }
0x4b: {  	_ =	shalt  }
0x4c: {  	_ =	shalt  }
0x4d: {  	_ =	shalt  }
0x4e: {  	_ =	shalt  }
0x4f: {  	_ =	shalt  }
0x50: {  	_ =	shalt  }
0x51: {  	_ =	shalt  }
0x52: {  	_ =	shalt  }
0x53: {  	_ =	shalt  }
0x54: {  	_ =	shalt  }
0x55: {  	_ =	shalt  }
0x56: {  	_ =	shalt  }
0x57: {  	_ =	shalt  }
0x58: {  	_ =	shalt  }
0x59: {  	_ =	shalt  }
0x5a: {  	_ =	shalt  }
0x5b: {  	_ =	shalt  }
0x5c: {  	_ =	shalt  }
0x5d: {  	_ =	shalt  }
0x5e: {  	_ =	shalt  }
0x5f: {  	_ =	shalt  }
0x60: {  	_ =	shalt  }
0x61: {  	_ =	shalt  }
0x62: {  	_ =	shalt  }
0x63: {  	_ =	shalt  }
0x64: {  	_ =	shalt  }
0x65: {  	_ =	shalt  }
0x66: {  	_ =	shalt  }
0x67: {  	_ =	shalt  }
0x68: {  	_ =	shalt  }
0x69: {  	_ =	shalt  }
0x6a: {  	_ =	shalt  }
0x6b: {  	_ =	shalt  }
0x6c: {  	_ =	shalt  }
0x6d: {  	_ =	shalt  }
0x6e: {  	_ =	shalt  }
0x6f: {  	_ =	shalt  }
0x70: {  	_ =	shalt  }
0x71: {  	_ =	shalt  }
0x72: {  	_ =	shalt  }
0x73: {  	_ =	shalt  }
0x74: {  	_ =	shalt  }
0x75: {  	_ =	shalt  }
0x76: {  	_ =	shalt  }
0x77: {  	_ =	shalt  }
0x78: {  	_ =	shalt  }
0x79: {  	_ =	shalt  }
0x7a: {  	_ =	shalt  }
0x7b: {  	_ =	shalt  }
0x7c: {  	_ =	shalt  }
0x7d: {  	_ =	shalt  }
0x7e: {  	_ =	shalt  }
0x7f: {  	_ =	shalt  }
0x80: {  	_ =	shalt  }
0x81: {  	_ =	shalt  }
0x82: {  	_ =	shalt  }
0x83: {  	_ =	shalt  }
0x84: {  	_ =	shalt  }
0x85: {  	_ =	shalt  }
0x86: {  	_ =	shalt  }
0x87: {  	_ =	shalt  }
.Lfunc_end0:
.L_simem_size_0:
called_computation_lowered:
.L_overlay_start_0:
0x88: {  	s2 =	sld [smem:$0x3FD9]  }
0x89: {  	s3 =	sld [smem:$0x3FFE];
	_ =	sdelay $0x1  }
0x8a: {  	s1 =	srdreg.scid  }
0x8b: {  	s0 =	sand.u32 $0x1, s1  }
0x8c: {  	s17 =	sshll.u32 s0, $0xA;
	s2 =	sadd.s32 s3, s2  }
0x8d: {  	s2 =	sadd.s32 s2, s17  }
0x8e: {  	[smem:$0x3FB2] =	sst s2  }
0x8f: {  	_ = 	snop  }
0x90: {  	(tm) =	ssettm $0x1  }
0x91: {  	s18 =	sld [smem:$0x3FFB];
	_ =	sdelay $0x3  }
0x92: {  	_ =	strace s18  }
0x93: {  	s2 =	sld [smem:$0x3FFC];
	_ =	sdelay $0x3  }
0x94: {  	_ =	strace s2  }
0x95: {  	s2 =	sld [smem:$0x3FFD];
	_ =	sdelay $0x3  }
0x96: {  	_ =	strace s2  }
0x97: {  	_ =	strace $0x8FFFFFFF  }
0x98: {  	s19 =	sld [smem:$0x3FDB];
	_ =	sdelay $0x1  }
0x99: {  	s20 =	simm.s32 $_scs_section_size  }
0x9a: {  	s4 =	simm.s32 $_size__tile_overlayer_lowered;
	s5 =	simm.s32 $_tile_overlayer_lowered  }
0x9b: {  	s6 =	simm.s32 $0x1BFF;
	s21 =	sshll.u32 s5, $0x1;
	s3 =	sadd.s32 s20, s19  }
0x9c: {  	s22 =	simm.s32 $0x0;
	s4 =	sshll.u32 s4, $0x1;
	s5 =	sadd.s32 s21, s3  }
0x9d: {  	[timem:s22], [sflag:s6] =	dma.local [hbm:s5], s4  }
0x9e: {  	_ =	swait.ge [sflag:s6], s4  }
0x9f: {  	s4 =	ssub.s32 $0x0, s4;
	[sflag:s6] =	ssyncset.done $0x0  }
0xa0: {  	[sflag:s6] =	ssyncadd.s32 s4;
	_ =	sdelay $0x1  }
0xa1: {  	s23 =	simm.s32 $0x1B8B  }
0xa2: {  	_ =	swait.ge [sflag:s23], $0x1  }
0xa3: {  	[sflag:s23] =	ssyncset.done $0x0  }
0xa4: {  	[sflag:s23] =	ssyncadd.s32 $0xFFFFFFFF  }
0xa5: {  	s4 =	sld [smem:$0x0]  }
0xa6: {  	s5 =	sand.u32 $0xFFFFFFFE, s1  }
0xa7: {  	p0 =	sne.s32 s1, s5  }
0xa8: {  	s5 =	sshll.u32 @p0 s5, $0xE  }
0xa9: {  	s5 =	sadd.s32 @p0 $0x11B8D, s5;
	s6 =	sshll.u32 @p0 s4, $0x11  }
0xaa: {  	s5 =	sor.u32 @p0 s6, s5  }
0xab: {  	[sflag:s5] =	ssyncadd.remote.s32 @p0 $0x1;
	_ =	sdelay $0x1  }
0xac: {  	s5 =	simm.s32 @p0 $0x1B8D  }
0xad: {  	_ =	swait.eq @p0 [sflag:s5], $0x1  }
0xae: {  	[sflag:s5] =	ssyncadd.s32 @p0 $0xFFFFFFFF  }
0xaf: {  	s6 =	sshll.u32 @!p0 s1, $0xE  }
0xb0: {  	s6 =	sor.u32 @!p0 $0x4000, s6;
	s5 =	simm.s32 @!p0 $0x1B8D  }
0xb1: {  	s4 =	sshll.u32 @!p0 s4, $0x11;
	s6 =	sadd.s32 @!p0 $0x11B8D, s6;
	_ =	swait.eq @!p0 [sflag:s5], $0x1  }
0xb2: {  	s4 =	sor.u32 @!p0 s4, s6;
	[sflag:s5] =	ssyncadd.s32 @!p0 $0xFFFFFFFF  }
0xb3: {  	s25 =	simm.s32 $0x1B8E;
	s24 =	sld [smem:$0x3FFE];
	[sflag:s4] =	ssyncadd.remote.s32 @!p0 $0x1  }
0xb4: {  	s26 =	simm.s32 $execute0_lowered;
	[smem:$0x3FD2] =	sst s25  }
0xb5: {  	s5 =	sshll.u32 s26, $0x1;
	_ =	strace $0x80000049;
	[dreg:$0x1] =	wrdreg $0xFFFFFFFF  }
0xb6: {  	s28 =	simm.s32 $_size_execute0_lowered;
	s3 =	sadd.s32 s3, s5;
	[dreg:$0x0] =	wrdreg $0x0  }
0xb7: {  	s5 =	sshll.u32 s28, $0x1;
	[dreg:$0x2] =	wrdreg s3  }
0xb8: {  	[dreg:$0x3] =	wrdreg s5  }
0xb9: {  	[dreg:$0x4] =	wrdreg $0xC0  }
0xba: {  	_ =	task [dreg:s22], $0x5FFFF  }
0xbb: {  	[dreg:$0x1] =	wrdreg $0xFFFFFFFF  }
0xbc: {  	[dreg:$0x0] =	wrdreg $0x60  }
0xbd: {  	[dreg:$0x2] =	wrdreg s24  }
0xbe: {  	[dreg:$0x3] =	wrdreg $0x9  }
0xbf: {  	_ =	task.clear_ibuf [dreg:s22], $0x4FFFF;
	_ =	strace $0x90000049  }
0xc0: {  	s29 =	simm.s32 $0x9;
	_ =	strace $0x8000004B  }
0xc1: {  	_ =	swait.ge [sflag:s29], $0x1  }
0xc2: {  	[sflag:s29] =	ssyncadd.s32 $0xFFFFFFFF  }
0xc3: {  	_ =	strace $0x9000004B  }
0xc4: {  	_ =	sfence  }
0xc5: {  	s30 =	sld [smem:$0x0];
	_ =	sdelay $0x2  }
0xc6: {  	s31 =	sshll.u32 s1, $0xD;
	s1 =	sshrl.u32 s1, $0x2  }
0xc7: {  	s4 =	sand.u32 $0x4000, s31;
	s1 =	sadd.s32 s1, s30  }
0xc8: {  	s0 =	sor.u32 s4, s0;
	s1 =	sshll.u32 s1, $0x11  }
0xc9: {  	s0 =	sor.u32 s1, s0  }
0xca: {  	s0 =	sadd.s32 $0x8F2B, s0  }
0xcb: {  	[sflag:s0] =	ssyncadd.remote.s32 $0x1  }
0xcc: {  	_ =	sfence.sel $0xFFFF  }
0xcd: {  	[dreg:$0x0] =	wrdreg $0xFFFFFFFF;
	(pc) =	sbr.abs _section_cstart, $3  }
0xce: {  	[dreg:$0x1] =	wrdreg $0xFFFFFFFF  }
0xcf: {  	_ =	task.clear_ibuf [dreg:s22], $0x2FFFF;
	_ =	strace $0x9FFFFFFF  }
0xd0: {  	(tm) =	ssettm $0x7FFFFFFF  }
0xd1: {  	_ =	shalt  }
tec
execute0_lowered:
.L_overlay_start_1:
0x0: {  	(tag) =	ssettag $0x1  }
0x1: {  	s1 =	srdreg.scid;
	s0 =	stileid.u32  }
0x2: {  	s6 =	sand.u32 $0x1, s1;
	s30 =	sshll.u32 s0, $0x1  }
0x3: {  	s8 =	rddreg [dreg:$0x0];
	s7 =	sor.u32 s6, s30  }
0x4: {  	s2 =	simm.s32 $0x0;
	s1 =	rddreg [dreg:$0x1];
	s3 =	smul.u32 $0x68, s7  }
0x5: {  	[smem:$0x7FF] =	sst s2;
	s5 =	sadd.s32 $0x11C00, s8  }
0x6: {  	_ =	strace $0x8000004A;
	s10 =	ssub.s32 $0x2, s6;
	s3 =	sadd.s32 s3, s8  }
0x7: {  	s6 =	simm.s32 $0x340;
	s4 =	sadd.s32 $0xD5200, s3;
	s3 =	simm.s32 $0x2  }
0x8: {  	[tilespmem:s2], [sflag:$0x2] =	stream.linear.gather [hbm4b:s4+s2], $0x340, $0x38;
	[tilespmem:$0xD340] =	vst v63  }
0x9: {  	s9 =	smul.u32 $0x1A00, s7;
	s11 =	sshrl.u32 s10, $0x1;
	_ =	swait.ge [sflag:s3], $0x340  }
0xa: {  	s7 =	simm.s32 $0x1;
	s31 =	ssub.s32 s10, s11;
	[sflag:s3] =	ssyncset.done $0x0  }
0xb: {  	s8 =	sadd.s32 s9, s8;
	s9 =	smax.u32 s31, $0x1;
	[sflag:s3] =	ssyncadd.s32 $0xFFFFFCC0  }
0xc: {  	[tilespmem:s6], [sflag:$0x1] =	stream.indirect.gather [hbm4b:s5+s6], $0x40, s2, s6, $0xb8;
	[tilespmem:$0xD340] =	vst v63  }
0xd: {  	p0 =	sne.s32 s9, $0x1;
	_ =	swait.ge [sflag:s7], $0xD000  }
.Ltmp0:
0xe: {  	[sflag:s7] =	ssyncset.done $0x0;
	(pc) =	sbr.rel @!p0 .LBB2_2-.Ltmp0, $4  }
0xf: {  	s8 =	sadd.s32 $0xD6000, s8;
	[sflag:s7] =	ssyncadd.s32 $0xFFFF3000  }
0x10: {  	[hbm4b:s8+s2] =	stream.linear.scatter [tilespmem:s6], [sflag:$0x2], $0xD000, $0x38;
	[tilespmem:$0xD340] =	vst v63  }
0x11: {  	_ =	swait.ge [sflag:s3], $0xD000  }
0x12: {  	s9 =	sadd.s32 $0xFFFFFFFF, s9;
	[sflag:s3] =	ssyncset.done $0x0  }
.LBB2_1:
0x13: {  	p0 =	sne.s32 s9, $0x1;
	s9 =	sadd.s32 $0xFFFFFFFF, s9;
	[sflag:s3] =	ssyncadd.s32 $0xFFFF3000  }
0x14: {  	[tilespmem:s2], [sflag:$0x2] =	stream.linear.gather [hbm4b:s4+s2], $0x340, $0x38;
	[tilespmem:$0xD340] =	vst v63  }
0x15: {  	_ =	swait.ge [sflag:s3], $0x340  }
0x16: {  	[sflag:s3] =	ssyncset.done $0x0  }
0x17: {  	[sflag:s3] =	ssyncadd.s32 $0xFFFFFCC0  }
0x18: {  	[tilespmem:s6], [sflag:$0x1] =	stream.indirect.gather [hbm4b:s5+s6], $0x40, s2, s6, $0xb8;
	[tilespmem:$0xD340] =	vst v63  }
0x19: {  	_ =	swait.ge [sflag:s7], $0xD000  }
.Ltmp1:
0x1a: {  	[sflag:s7] =	ssyncset.done $0x0;
	(pc) =	sbr.rel @p0 .LBB2_1-.Ltmp1, $4  }
0x1b: {  	[sflag:s7] =	ssyncadd.s32 $0xFFFF3000  }
0x1c: {  	[hbm4b:s8+s2] =	stream.linear.scatter [tilespmem:s6], [sflag:$0x2], $0xD000, $0x38;
	[tilespmem:$0xD340] =	vst v63  }
0x1d: {  	_ =	swait.ge [sflag:s3], $0xD000  }
0x1e: {  	[sflag:s3] =	ssyncset.done $0x0  }
.LBB2_2:
0x1f: {  	[sflag:s3] =	ssyncadd.s32 $0xFFFF3000  }
0x20: {  	_ =	sfence.sel $0x180000  }
0x21: {  	[bflag:$0x0] =	sbarrier.arrive $0xFFFF  }
0x22: {  	p0 =	sne.s32 s0, $0x0;
	_ =	strace $0x9000004A  }
0x23: {  	s0 =	sadd.s32 @!p0 $0x100000, s1;
	[bflag:$0x2] =	sbarrier.arrive $0xFFFF  }
0x24: {  	[sflag:s0] =	ssyncadd.tile.s32 @!p0 $0x1;
	_ =	shalt  }
.Lfunc_end2:
_tile_overlayer_lowered:
.L_overlay_start_2:
0x25: {  	(tag) =	ssettag $0x2  }
0x26: {  	s0 =	rddreg [dreg:$0x0];
	s2 =	stileid.u32  }
0x27: {  	s1 =	rddreg [dreg:$0x1];
	p0 =	sne.s32 s2, $0x0  }
0x28: {  	s3 =	rddreg [dreg:$0x2];
	[bflag:$0x3] =	sbarrier.arrive $0xFFFF;
	s2 =	simm.s32 @!p0 $0x1C02  }
0x29: {  	[timem:s3], [sflag:s2] =	dma.local @!p0 [hbm:s0], s1  }
0x2a: {  	s0 =	simm.s32 @!p0 $0x2  }
0x2b: {  	_ =	swait.ge @!p0 [sflag:s0], s1  }
0x2c: {  	s1 =	ssub.s32 @!p0 $0x0, s1;
	[sflag:s0] =	ssyncset.done @!p0 $0x0  }
0x2d: {  	[sflag:s0] =	ssyncadd.s32 @!p0 s1  }
0x2e: {  	[bflag:$0x3] =	sbarrier.arrive $0xFFFF  }
0x2f: {  	_ =	shalt  }

// kernel: kernel.9.cloned.1.call-start
scs
__scs_entry_jumppad:
0x0: {  	(pc) =	sbr.rel $0x88, $3  }
0x1: {  	(tag) =	ssettag $0x0;
	lr =	simm.s32 $0x1  }
0x2: {  	[smem:$0x3F8B] =	sst lr;
	_ =	strace $0xD0000000  }
0x3: {  	_ = 	snop  }
0x4: {  	_ = 	snop  }
0x5: {  	_ = 	snop  }
0x6: {  	_ = 	snop  }
0x7: {  	_ = 	snop  }
__scs_overlays_trampoline_lowered:
0x8: {  	[smem:$0x3F9A] =	sst s0  }
0x9: {  	[smem:$0x3F9B] =	sst s1  }
0xa: {  	[smem:$0x3F9C] =	sst s2  }
0xb: {  	[smem:$0x3F9D] =	sst s3  }
0xc: {  	[smem:$0x3F9E] =	sst s4  }
0xd: {  	[smem:$0x3F9F] =	sst s5  }
0xe: {  	[smem:$0x3FA0] =	sst s6  }
0xf: {  	[smem:$0x3FA1] =	sst s7  }
0x10: {  	[smem:$0x3FA2] =	sst s8  }
0x11: {  	[smem:$0x3FA3] =	sst s9;
	s0 =	simm.s32 @!p0 $0x0  }
0x12: {  	s1 =	sld [smem:$0x3F89];
	s0 =	simm.s32 @p0 $0x1  }
0x13: {  	[smem:$0x3FA4] =	sst s0;
	s0 =	simm.s32 @!p1 $0x0  }
0x14: {  	s2 =	sld [smem:$0x3F88];
	s0 =	simm.s32 @p1 $0x1  }
0x15: {  	[smem:$0x3FA5] =	sst s0;
	s0 =	simm.s32 @!p2 $0x0  }
0x16: {  	s3 =	sld [smem:$0x3FDB];
	s0 =	simm.s32 @p2 $0x1  }
0x17: {  	s4 =	simm.s32 $0x1BF5;
	[smem:$0x3FA7] =	sst s0  }
0x18: {  	s0 =	sld [smem:$0x3F8A];
	_ =	swait.ge [sflag:s4], $0x0  }
0x19: {  	s7 =	sld [smem:$0x3F8B]  }
0x1a: {  	s8 =	sadd.s32 $0xFFFFE003, lr  }
0x1b: {  	s9 =	sadd.s32 $0xFFFFFEF7, lr;
	s5 =	simm.s32 $0xFFFFFFFF;
	p2 =	slt.u32 s8, $0xFFFFF086  }
0x1c: {  	p1 =	slt.u32 s9, $0xF7A;
	s5 =	simm.s32 @!p2 $0x0  }
0x1d: {  	s5 =	simm.s32 @p1 $0x1;
	p0 =	seq.s32 s7, s2  }
0x1e: {  	s7 =	smul.u32 @!p0 $0xF7A, s2;
	p2 =	seq.s32 @!p0 s5, $0x0  }
0x1f: {  	s9 =	smul.u32 $0xF7A, s1;
	s8 =	simm.s32 @!p0 $0x1BF5;
	p2 =	por !p2, p0  }
0x20: {  	[sflag:s8] =	ssyncset.s32 @!p0 $0xFFFFF086;
	s6 =	sadd.s32 @!p0 s3, s7;
	s7 =	simm.s32 @!p0 $0x108  }
0x21: {  	s3 =	sadd.s32 s3, s9;
	s6 =	sadd.s32 @!p0 $0x88, s6;
	s7 =	simm.s32 @p2 $0x1082  }
0x22: {  	[simem:s7], [sflag:s8] =	dma.local @!p0 [hbm:s6], $0xF7A  }
0x23: {  	s9 =	sor.u32 $0xD0000000, s2;
	s6 =	simm.s32 $0x108;
	_ =	swait.ge @!p0 [sflag:s8], $0x0  }
0x24: {  	s3 =	sadd.s32 $0x88, s3;
	s6 =	simm.s32 @!p1 $0x1082;
	[sflag:s4] =	ssyncset.s32 $0xFFFFF086  }
0x25: {  	[simem:s6], [sflag:s4] =	dma.local [hbm:s3], $0xF7A  }
0x26: {  	[smem:$0x3F8B] =	sst s1;
	(tag) =	ssettag s2;
	_ =	strace s9  }
0x27: {  	s1 =	sld [smem:$0x3F9B]  }
0x28: {  	s2 =	sld [smem:$0x3F9C]  }
0x29: {  	s4 =	sld [smem:$0x3F9E]  }
0x2a: {  	p0 =	seq.s32 s5, $0x0;
	s5 =	sld [smem:$0x3F9F]  }
0x2b: {  	s6 =	sld [smem:$0x3FA0]  }
0x2c: {  	s7 =	sld [smem:$0x3FA1]  }
0x2d: {  	s3 =	simm.s32 $0x108;
	s8 =	sld [smem:$0x3FA2]  }
0x2e: {  	s3 =	simm.s32 @!p0 $0x1082;
	s9 =	sld [smem:$0x3FA3]  }
0x2f: {  	lr =	sadd.s32 s0, s3;
	s0 =	sld [smem:$0x3F9A]  }
0x30: {  	s3 =	sld [smem:$0x3F9D]  }
0x31: {  	[smem:$0x3FA6] =	sst s10  }
0x32: {  	s10 =	sld [smem:$0x3FA4];
	_ =	sdelay $0x3  }
0x33: {  	p0 =	seq.s32 s10, $0x1;
	s10 =	sld [smem:$0x3FA6];
	_ =	sdelay $0x3  }
0x34: {  	[smem:$0x3FA6] =	sst s10  }
0x35: {  	s10 =	sld [smem:$0x3FA5];
	_ =	sdelay $0x3  }
0x36: {  	p1 =	seq.s32 s10, $0x1;
	s10 =	sld [smem:$0x3FA6];
	_ =	sdelay $0x3  }
0x37: {  	[smem:$0x3FA6] =	sst s10  }
0x38: {  	s10 =	sld [smem:$0x3FA7]  }
0x39: {  	_ = 	snop;
	(pc) =	sbr.ind lr, $3  }
0x3a: {  	_ = 	snop  }
0x3b: {  	_ = 	snop  }
0x3c: {  	p2 =	seq.s32 s10, $0x1;
	s10 =	sld [smem:$0x3FA6]  }
0x3d: {  	_ =	shalt  }
0x3e: {  	_ =	shalt  }
0x3f: {  	_ =	shalt  }
0x40: {  	_ =	shalt  }
0x41: {  	_ =	shalt  }
0x42: {  	_ =	shalt  }
0x43: {  	_ =	shalt  }
0x44: {  	_ =	shalt  }
0x45: {  	_ =	shalt  }
0x46: {  	_ =	shalt  }
0x47: {  	_ =	shalt  }
0x48: {  	_ =	shalt  }
0x49: {  	_ =	shalt  }
0x4a: {  	_ =	shalt  }
0x4b: {  	_ =	shalt  }
0x4c: {  	_ =	shalt  }
0x4d: {  	_ =	shalt  }
0x4e: {  	_ =	shalt  }
0x4f: {  	_ =	shalt  }
0x50: {  	_ =	shalt  }
0x51: {  	_ =	shalt  }
0x52: {  	_ =	shalt  }
0x53: {  	_ =	shalt  }
0x54: {  	_ =	shalt  }
0x55: {  	_ =	shalt  }
0x56: {  	_ =	shalt  }
0x57: {  	_ =	shalt  }
0x58: {  	_ =	shalt  }
0x59: {  	_ =	shalt  }
0x5a: {  	_ =	shalt  }
0x5b: {  	_ =	shalt  }
0x5c: {  	_ =	shalt  }
0x5d: {  	_ =	shalt  }
0x5e: {  	_ =	shalt  }
0x5f: {  	_ =	shalt  }
0x60: {  	_ =	shalt  }
0x61: {  	_ =	shalt  }
0x62: {  	_ =	shalt  }
0x63: {  	_ =	shalt  }
0x64: {  	_ =	shalt  }
0x65: {  	_ =	shalt  }
0x66: {  	_ =	shalt  }
0x67: {  	_ =	shalt  }
0x68: {  	_ =	shalt  }
0x69: {  	_ =	shalt  }
0x6a: {  	_ =	shalt  }
0x6b: {  	_ =	shalt  }
0x6c: {  	_ =	shalt  }
0x6d: {  	_ =	shalt  }
0x6e: {  	_ =	shalt  }
0x6f: {  	_ =	shalt  }
0x70: {  	_ =	shalt  }
0x71: {  	_ =	shalt  }
0x72: {  	_ =	shalt  }
0x73: {  	_ =	shalt  }
0x74: {  	_ =	shalt  }
0x75: {  	_ =	shalt  }
0x76: {  	_ =	shalt  }
0x77: {  	_ =	shalt  }
0x78: {  	_ =	shalt  }
0x79: {  	_ =	shalt  }
0x7a: {  	_ =	shalt  }
0x7b: {  	_ =	shalt  }
0x7c: {  	_ =	shalt  }
0x7d: {  	_ =	shalt  }
0x7e: {  	_ =	shalt  }
0x7f: {  	_ =	shalt  }
0x80: {  	_ =	shalt  }
0x81: {  	_ =	shalt  }
0x82: {  	_ =	shalt  }
0x83: {  	_ =	shalt  }
0x84: {  	_ =	shalt  }
0x85: {  	_ =	shalt  }
0x86: {  	_ =	shalt  }
0x87: {  	_ =	shalt  }
.Lfunc_end0:
.L_simem_size_0:
called_computation.1_lowered:
.L_overlay_start_0:
0x88: {  	s2 =	sld [smem:$0x3FD9]  }
0x89: {  	s3 =	sld [smem:$0x3FFE];
	_ =	sdelay $0x1  }
0x8a: {  	s1 =	srdreg.scid  }
0x8b: {  	s0 =	sand.u32 $0x1, s1  }
0x8c: {  	s16 =	sshll.u32 s0, $0xA;
	s2 =	sadd.s32 s3, s2  }
0x8d: {  	s2 =	sadd.s32 s2, s16  }
0x8e: {  	[smem:$0x3FB2] =	sst s2  }
0x8f: {  	_ = 	snop  }
0x90: {  	(tm) =	ssettm $0x1  }
0x91: {  	s17 =	sld [smem:$0x3FFB];
	_ =	sdelay $0x3  }
0x92: {  	_ =	strace s17  }
0x93: {  	s2 =	sld [smem:$0x3FFC];
	_ =	sdelay $0x3  }
0x94: {  	_ =	strace s2  }
0x95: {  	s2 =	sld [smem:$0x3FFD];
	_ =	sdelay $0x3  }
0x96: {  	_ =	strace s2  }
0x97: {  	_ =	strace $0x8FFFFFFF  }
0x98: {  	s18 =	sld [smem:$0x3FDB];
	_ =	sdelay $0x1  }
0x99: {  	s19 =	simm.s32 $_scs_section_size  }
0x9a: {  	s4 =	simm.s32 $_size__tile_overlayer_lowered;
	s5 =	simm.s32 $_tile_overlayer_lowered  }
0x9b: {  	s22 =	simm.s32 $0x1BFF;
	s21 =	sshll.u32 s5, $0x1;
	s2 =	sadd.s32 s19, s18  }
0x9c: {  	s6 =	simm.s32 $0x0;
	s20 =	sshll.u32 s4, $0x1;
	s4 =	sadd.s32 s21, s2  }
0x9d: {  	[timem:s6], [sflag:s22] =	dma.local [hbm:s4], s20  }
0x9e: {  	_ =	swait.ge [sflag:s22], s20  }
0x9f: {  	s3 =	ssub.s32 $0x0, s20;
	[sflag:s22] =	ssyncset.done $0x0  }
0xa0: {  	[sflag:s22] =	ssyncadd.s32 s3;
	_ =	sdelay $0x1  }
0xa1: {  	s23 =	simm.s32 $0x1B8B  }
0xa2: {  	_ =	swait.ge [sflag:s23], $0x1  }
0xa3: {  	[sflag:s23] =	ssyncset.done $0x0  }
0xa4: {  	s25 =	simm.s32 $0x1B8E;
	s24 =	sld [smem:$0x3FFE];
	[sflag:s23] =	ssyncadd.s32 $0xFFFFFFFF  }
0xa5: {  	s26 =	simm.s32 $execute0_lowered;
	[smem:$0x3FD2] =	sst s25  }
0xa6: {  	s4 =	sshll.u32 s26, $0x1;
	_ =	strace $0x80000046;
	[dreg:$0x1] =	wrdreg $0xFFFFFFFF  }
0xa7: {  	s28 =	simm.s32 $_size_execute0_lowered;
	s2 =	sadd.s32 s2, s4;
	[dreg:$0x0] =	wrdreg $0x0  }
0xa8: {  	s4 =	sshll.u32 s28, $0x1;
	[dreg:$0x2] =	wrdreg s2  }
0xa9: {  	[dreg:$0x3] =	wrdreg s4  }
0xaa: {  	[dreg:$0x4] =	wrdreg $0xC0  }
0xab: {  	_ =	task [dreg:s6], $0x5FFFF  }
0xac: {  	[dreg:$0x1] =	wrdreg $0xFFFFFFFF  }
0xad: {  	[dreg:$0x0] =	wrdreg $0x60  }
0xae: {  	[dreg:$0x2] =	wrdreg s24  }
0xaf: {  	[dreg:$0x3] =	wrdreg $0xA  }
0xb0: {  	_ =	task.clear_ibuf [dreg:s6], $0x4FFFF;
	_ =	strace $0x90000046  }
0xb1: {  	s29 =	simm.s32 $0xA;
	_ =	strace $0x80000048  }
0xb2: {  	_ =	swait.ge [sflag:s29], $0x1  }
0xb3: {  	[sflag:s29] =	ssyncadd.s32 $0xFFFFFFFF  }
0xb4: {  	_ =	strace $0x90000048  }
0xb5: {  	_ =	sfence  }
0xb6: {  	s30 =	sld [smem:$0x0];
	_ =	sdelay $0x2  }
0xb7: {  	s31 =	sshll.u32 s1, $0xD;
	s1 =	sshrl.u32 s1, $0x2  }
0xb8: {  	s3 =	sand.u32 $0x4000, s31;
	s1 =	sadd.s32 s1, s30  }
0xb9: {  	s0 =	sor.u32 s3, s0;
	s1 =	sshll.u32 s1, $0x11  }
0xba: {  	s0 =	sor.u32 s1, s0  }
0xbb: {  	s0 =	sadd.s32 $0x8F2B, s0  }
0xbc: {  	[sflag:s0] =	ssyncadd.remote.s32 $0x1  }
0xbd: {  	_ =	sfence.sel $0xFFFF  }
0xbe: {  	[dreg:$0x0] =	wrdreg $0xFFFFFFFF;
	(pc) =	sbr.abs _section_cstart, $3  }
0xbf: {  	[dreg:$0x1] =	wrdreg $0xFFFFFFFF  }
0xc0: {  	_ =	task.clear_ibuf [dreg:s6], $0x2FFFF;
	_ =	strace $0x9FFFFFFF  }
0xc1: {  	(tm) =	ssettm $0x7FFFFFFF  }
tec
execute0_lowered:
.L_overlay_start_1:
0x0: {  	(tag) =	ssettag $0x1  }
0x1: {  	s1 =	srdreg.scid;
	s0 =	stileid.u32  }
0x2: {  	s6 =	sand.u32 $0x1, s1;
	s30 =	sshll.u32 s0, $0x1  }
0x3: {  	s8 =	rddreg [dreg:$0x0];
	s7 =	sor.u32 s6, s30  }
0x4: {  	s2 =	simm.s32 $0x0;
	s1 =	rddreg [dreg:$0x1];
	s3 =	smul.u32 $0x68, s7  }
0x5: {  	[smem:$0x7FF] =	sst s2;
	s5 =	sadd.s32 $0x18AA00, s8  }
0x6: {  	_ =	strace $0x80000047;
	s10 =	ssub.s32 $0x2, s6;
	s3 =	sadd.s32 s3, s8  }
0x7: {  	s6 =	simm.s32 $0x340;
	s4 =	sadd.s32 $0x3E00, s3;
	s3 =	simm.s32 $0x2  }
0x8: {  	[tilespmem:s2], [sflag:$0x2] =	stream.linear.gather [hbm4b:s4+s2], $0x340, $0x38;
	[tilespmem:$0x3740] =	vst v63  }
0x9: {  	s9 =	smul.u32 $0x680, s7;
	s11 =	sshrl.u32 s10, $0x1;
	_ =	swait.ge [sflag:s3], $0x340  }
0xa: {  	s7 =	simm.s32 $0x1;
	s31 =	ssub.s32 s10, s11;
	[sflag:s3] =	ssyncset.done $0x0  }
0xb: {  	s8 =	sadd.s32 s9, s8;
	s9 =	smax.u32 s31, $0x1;
	[sflag:s3] =	ssyncadd.s32 $0xFFFFFCC0  }
0xc: {  	[tilespmem:s6], [sflag:$0x1] =	stream.indirect.gather [hbm4b:s5+s6], $0x10, s2, s6, $0xb8;
	[tilespmem:$0x3740] =	vst v63  }
0xd: {  	p0 =	sne.s32 s9, $0x1;
	_ =	swait.ge [sflag:s7], $0x3400  }
.Ltmp0:
0xe: {  	[sflag:s7] =	ssyncset.done $0x0;
	(pc) =	sbr.rel @!p0 .LBB2_2-.Ltmp0, $4  }
0xf: {  	s8 =	sadd.s32 $0x4C00, s8;
	[sflag:s7] =	ssyncadd.s32 $0xFFFFCC00  }
0x10: {  	[hbm4b:s8+s2] =	stream.linear.scatter [tilespmem:s6], [sflag:$0x2], $0x3400, $0x38;
	[tilespmem:$0x3740] =	vst v63  }
0x11: {  	_ =	swait.ge [sflag:s3], $0x3400  }
0x12: {  	s9 =	sadd.s32 $0xFFFFFFFF, s9;
	[sflag:s3] =	ssyncset.done $0x0  }
.LBB2_1:
0x13: {  	p0 =	sne.s32 s9, $0x1;
	s9 =	sadd.s32 $0xFFFFFFFF, s9;
	[sflag:s3] =	ssyncadd.s32 $0xFFFFCC00  }
0x14: {  	[tilespmem:s2], [sflag:$0x2] =	stream.linear.gather [hbm4b:s4+s2], $0x340, $0x38;
	[tilespmem:$0x3740] =	vst v63  }
0x15: {  	_ =	swait.ge [sflag:s3], $0x340  }
0x16: {  	[sflag:s3] =	ssyncset.done $0x0  }
0x17: {  	[sflag:s3] =	ssyncadd.s32 $0xFFFFFCC0  }
0x18: {  	[tilespmem:s6], [sflag:$0x1] =	stream.indirect.gather [hbm4b:s5+s6], $0x10, s2, s6, $0xb8;
	[tilespmem:$0x3740] =	vst v63  }
0x19: {  	_ =	swait.ge [sflag:s7], $0x3400  }
.Ltmp1:
0x1a: {  	[sflag:s7] =	ssyncset.done $0x0;
	(pc) =	sbr.rel @p0 .LBB2_1-.Ltmp1, $4  }
0x1b: {  	[sflag:s7] =	ssyncadd.s32 $0xFFFFCC00  }
0x1c: {  	[hbm4b:s8+s2] =	stream.linear.scatter [tilespmem:s6], [sflag:$0x2], $0x3400, $0x38;
	[tilespmem:$0x3740] =	vst v63  }
0x1d: {  	_ =	swait.ge [sflag:s3], $0x3400  }
0x1e: {  	[sflag:s3] =	ssyncset.done $0x0  }
.LBB2_2:
0x1f: {  	[sflag:s3] =	ssyncadd.s32 $0xFFFFCC00  }
0x20: {  	_ =	sfence.sel $0x180000  }
0x21: {  	[bflag:$0x0] =	sbarrier.arrive $0xFFFF  }
0x22: {  	p0 =	sne.s32 s0, $0x0;
	_ =	strace $0x90000047  }
0x23: {  	s0 =	sadd.s32 @!p0 $0x100000, s1;
	[bflag:$0x2] =	sbarrier.arrive $0xFFFF  }
0x24: {  	[sflag:s0] =	ssyncadd.tile.s32 @!p0 $0x1;
	_ =	shalt  }
.Lfunc_end2:
_tile_overlayer_lowered:
.L_overlay_start_2:
0x25: {  	(tag) =	ssettag $0x2  }
0x26: {  	s0 =	rddreg [dreg:$0x0];
	s2 =	stileid.u32  }
0x27: {  	s1 =	rddreg [dreg:$0x1];
	p0 =	sne.s32 s2, $0x0  }
0x28: {  	s3 =	rddreg [dreg:$0x2];
	[bflag:$0x3] =	sbarrier.arrive $0xFFFF;
	s2 =	simm.s32 @!p0 $0x1C02  }
0x29: {  	[timem:s3], [sflag:s2] =	dma.local @!p0 [hbm:s0], s1  }
0x2a: {  	s0 =	simm.s32 @!p0 $0x2  }
0x2b: {  	_ =	swait.ge @!p0 [sflag:s0], s1  }
0x2c: {  	s1 =	ssub.s32 @!p0 $0x0, s1;
	[sflag:s0] =	ssyncset.done @!p0 $0x0  }
0x2d: {  	[sflag:s0] =	ssyncadd.s32 @!p0 s1  }
0x2e: {  	[bflag:$0x3] =	sbarrier.arrive $0xFFFF  }
0x2f: {  	_ =	shalt  }

</sc_bundles>
